<compile_context>
chip_gen: v7x
topology: tpu7x:2x2x1
jax: 0.10.2.dev20260603
libtpu: 0.0.44.dev20260713+nightly
codegen_flags: <defaults>
</compile_context>

<pallas_src>
import functools

import jax
import jax.numpy as jnp
from jax import lax
from jax.experimental import pallas as pl
from jax.experimental.pallas import tpu as pltpu
from jax.experimental.pallas import tpu_sc as plsc

B, D, T, K = 16, 256, 2048, 8192
TT = 1024
WINDOWS = (2736, 5472, 8192)
NT = T // TT


def _vq_body(z_ref, x2_ref, y2_ref, w2_ref, idx_ref, loss_ref):
    nt = pl.program_id(1)
    zb = z_ref[0]
    x2 = x2_ref[0, 0, :]

    carry_val = None
    carry_idx = None
    carry_true = None
    lo = 0
    for hi in WINDOWS:
        kt = hi - lo
        wc = w2_ref[lo:hi, :]
        y2 = y2_ref[lo:hi, :]
        zw2 = lax.dot_general(wc, zb,
                              dimension_numbers=(((1,), (0,)), ((), ())),
                              preferred_element_type=jnp.float32)
        dist = (x2[None, :] + y2) - zw2
        wmin = jnp.min(dist, axis=0)
        kio = lax.broadcasted_iota(jnp.int32, (kt, TT), 0) + lo
        widx = jnp.min(
            jnp.where(dist == wmin[None, :], kio, jnp.int32(K)), axis=0)
        if carry_val is None:
            carry_val, carry_idx, carry_true = wmin, widx, wmin
        else:
            take = wmin < carry_val
            carry_idx = jnp.where(take, widx, carry_idx)
            carry_true = jnp.where(take, wmin, carry_true)
            carry_val = jnp.where(take, wmin, carry_val)
        carry_val = carry_val.astype(jnp.bfloat16).astype(jnp.float32)
        lo = hi

    idx_ref[0, 0, pl.ds(nt * TT, TT)] = carry_idx

    part = jnp.sum(carry_true)
    lane = lax.broadcasted_iota(jnp.int32, (128,), 0)
    prev = jnp.where(nt == 0, jnp.zeros((128,), jnp.float32), loss_ref[0, 0, :])
    loss_ref[0, 0, :] = prev + jnp.where(lane == 0, part, 0.0)


def _vq_argmin(z, x2, y2, w2):
    return pl.pallas_call(
        _vq_body,
        grid=(B, NT),
        in_specs=[
            pl.BlockSpec((1, D, TT), lambda b, nt: (b, 0, nt)),
            pl.BlockSpec((1, 1, TT), lambda b, nt: (b, 0, nt)),
            pl.BlockSpec((K, 1), lambda b, nt: (0, 0)),
            pl.BlockSpec((K, D), lambda b, nt: (0, 0)),
        ],
        out_specs=[
            pl.BlockSpec((1, 1, T), lambda b, nt: (b, 0, 0)),
            pl.BlockSpec((1, 1, 128), lambda b, nt: (b, 0, 0)),
        ],
        out_shape=[
            jax.ShapeDtypeStruct((B, 1, T), jnp.int32),
            jax.ShapeDtypeStruct((B, 1, 128), jnp.float32),
        ],
        compiler_params=pltpu.CompilerParams(
            dimension_semantics=("parallel", "arbitrary")),
    )(z, x2, y2, w2)


N = B * T
NC, NS = 2, 16
NW = NC * NS
CHUNK = 128
CH = N // (NW * CHUNK)

@functools.cache
def _sc_gather_fn():
    mesh = plsc.VectorSubcoreMesh(core_axis_name="c", subcore_axis_name="s")

    @functools.partial(
        pl.kernel,
        mesh=mesh,
        out_type=jax.ShapeDtypeStruct((N, D), jnp.float32),
        scratch_types=[
            pltpu.VMEM((CH, CHUNK), jnp.int32),
            pltpu.VMEM((CHUNK, D), jnp.float32),
            pltpu.VMEM((CHUNK, D), jnp.float32),
            pltpu.SemaphoreType.DMA,
            pltpu.SemaphoreType.DMA,
        ],
    )
    def _sc_gather(table_hbm, idx_hbm, out_hbm, idx_v, buf0, buf1, sem0, sem1):
        wid = lax.axis_index("s") * NC + lax.axis_index("c")
        base = wid * (CH * CHUNK)
        pltpu.sync_copy(idx_hbm.at[wid], idx_v)
        bufs = (buf0, buf1)
        sems = (sem0, sem1)
        copies = [None, None]
        copies[0] = pltpu.async_copy(table_hbm.at[idx_v.at[0]], bufs[0], sems[0])
        for c in range(CH):
            p = c % 2
            copies[p].wait()
            if c + 1 < CH:
                copies[1 - p] = pltpu.async_copy(
                    table_hbm.at[idx_v.at[c + 1]], bufs[1 - p], sems[1 - p])
            pltpu.sync_copy(bufs[p], out_hbm.at[pl.ds(base + c * CHUNK, CHUNK)])

    return _sc_gather


def kernel(z, W):
    x2 = jnp.sum(z * z, axis=1).reshape(-1)
    y2 = jnp.sum(W ** 2, axis=1)
    idx3, loss_parts = _vq_argmin(
        z, x2.reshape(B, 1, T), y2.reshape(K, 1), 2.0 * W)
    codes = idx3.reshape(1, B, 1, T)
    loss_commit = jnp.sum(loss_parts) / jnp.float32(B * T * D)
    q = _sc_gather_fn()(W, idx3.reshape(NW, CH, CHUNK))
    z_q = q.reshape(B, T, D).transpose(0, 2, 1)
    loss_codebook = jnp.float32(0.0)
    bandwidth = jnp.array([0.075], dtype=jnp.float32)
    return (z_q, codes, loss_commit, loss_codebook, bandwidth)

# --- scband reference (transcript-rebuilt; emitter-appended) ---
"""Pipeline reference for scband-single-vqwith-ema-47012712022108 (READ-ONLY COPY).

The authoritative reference and input builder live on the scoring server;
editing this copy changes nothing except your own understanding.
"""

import jax, jax.numpy as jnp
import numpy as np

B, D, T, K = 16, 256, 2048, 8192

def setup_inputs(seed: int = 0) -> dict:
    key = jax.random.key(seed)
    k1, k2 = jax.random.split(key, 2)
    z = jax.random.normal(k1, (B, D, T), dtype=jnp.float32)
    # Embedding init mimics nn.Embedding weight uniform_(-1/K, 1/K)
    W = jax.random.uniform(k2, (K, D), minval=-1.0 / K, maxval=1.0 / K, dtype=jnp.float32)
    return {"z": z, "W": W}

def reference(z, W):
    # Faithful translation of SingleVQWithEMA.forward in eval mode
    # (ema_usage_penalty=0.0, so no usage penalty term; EMA update only runs
    # in training mode and mutates buffers, not part of the functional fwd).
    Bz, dim, Tz = z.shape
    zt = jnp.transpose(z, (0, 2, 1))              # [B, T, dim]
    z_flat = zt.reshape(-1, dim)                  # [B*T, dim]
    x2 = jnp.sum(z_flat ** 2, axis=1, keepdims=True)        # [N, 1]
    y2 = jnp.sum(W ** 2, axis=1)[None, :]                    # [1, K]
    distances = x2 + y2 - 2.0 * (z_flat @ W.T)               # [N, K]
    indices = jnp.argmin(distances, axis=1)                  # [N]
    q = jnp.take(W, indices, axis=0).reshape(Bz, Tz, dim)    # [B, T, dim]
    loss_commit = jnp.mean((zt - jax.lax.stop_gradient(q)) ** 2)
    q_st = zt + jax.lax.stop_gradient(q - zt)                # straight-through
    z_q = jnp.transpose(q_st, (0, 2, 1))                     # [B, dim, T]
    codes = indices.reshape(Bz, Tz)[None, :, None, :]        # [1, B, 1, T]
    loss_codebook = jnp.float32(0.0)
    bandwidth = jnp.array([0.075], dtype=jnp.float32)
    return (z_q, codes, loss_commit, loss_codebook, bandwidth)

if False:  # reference __main__ guard neutralized (emitter)
    out = reference(**setup_inputs())
    print([getattr(o, 'shape', o) for o in out])

if __name__ == "__main__":
    import jax
    _d = setup_inputs()
    print(jax.jit(kernel)(*tuple(_d.values())))

</pallas_src>

<mosaic_0001>
#map = affine_map<(d0, d1) -> (0, 0)>
#map1 = affine_map<(d0, d1) -> (0, 0, 0)>
module attributes {stable_mosaic.version = 14 : i64} {
  func.func @_sc_gather(%arg0: i32, %arg1: i32, %arg2: memref<8192x256xf32, #tpu.memory_space<hbm>>, %arg3: memref<32x8x128xi32, #tpu.memory_space<hbm>>, %arg4: memref<32768x256xf32, #tpu.memory_space<hbm>>, %arg5: memref<8x128xi32, #tpu.memory_space<vmem>>, %arg6: memref<128x256xf32, #tpu.memory_space<vmem>>, %arg7: memref<128x256xf32, #tpu.memory_space<vmem>>, %arg8: memref<!tpu.dma_semaphore, #tpu.memory_space<semaphore_mem>>, %arg9: memref<!tpu.dma_semaphore, #tpu.memory_space<semaphore_mem>>) attributes {dimension_semantics = [#tpu.dimension_semantics<core_parallel>, #tpu.dimension_semantics<subcore_parallel>], iteration_bounds = array<i64: 2, 16>, scalar_prefetch = 0 : i64, scratch_operands = 5 : i64, tpu.core_type = #tpu.core_type<sc_vector_subcore>, window_params = [{transform_indices = #map}, {transform_indices = #map1}, {transform_indices = #map}]} {
    %mul3A = arith.constant 2 : i32
    %mul3A_0 = arith.muli %arg1, %mul3A : i32
    %add3A = arith.addi %mul3A_0, %arg0 : i32
    %mul3A_1 = arith.constant 1024 : i32
    %mul3A_2 = arith.muli %add3A, %mul3A_1 : i32
    "tpu.region"() ({
      %run_scoped3A = tpu.sem_alloc : memref<!tpu.dma_semaphore, #tpu.memory_space<semaphore_mem>>
      %dma_start3A_129 = arith.constant 0 : i32
      %dma_start3A_130 = arith.constant 0 : i32
      %dma_start3A_131 = tpu.memref_slice %arg3[%add3A, %dma_start3A_129, %dma_start3A_130] : memref<32x8x128xi32, #tpu.memory_space<hbm>> -> memref<1x8x128xi32, #tpu.memory_space<hbm>>
      %dma_start3A_132 = tpu.memref_squeeze %dma_start3A_131 : memref<1x8x128xi32, #tpu.memory_space<hbm>> -> memref<8x128xi32, #tpu.memory_space<hbm>>
      %dma_start3A_133 = arith.constant 0 : i32
      %dma_start3A_134 = arith.constant 0 : i32
      %dma_start3A_135 = tpu.memref_slice %arg3[%add3A, %dma_start3A_133, %dma_start3A_134] : memref<32x8x128xi32, #tpu.memory_space<hbm>> -> memref<1x8x128xi32, #tpu.memory_space<hbm>>
      %dma_start3A_136 = tpu.memref_squeeze %dma_start3A_135 : memref<1x8x128xi32, #tpu.memory_space<hbm>> -> memref<8x128xi32, #tpu.memory_space<hbm>>
      tpu.enqueue_dma source(%dma_start3A_136 : memref<8x128xi32, #tpu.memory_space<hbm>>) target(%arg5 : memref<8x128xi32, #tpu.memory_space<vmem>>) target_semaphore(%run_scoped3A : memref<!tpu.dma_semaphore, #tpu.memory_space<semaphore_mem>>)
      %dma_wait3A_137 = arith.constant 0 : i32
      %dma_wait3A_138 = arith.constant 0 : i32
      %dma_wait3A_139 = tpu.memref_slice %arg3[%add3A, %dma_wait3A_137, %dma_wait3A_138] : memref<32x8x128xi32, #tpu.memory_space<hbm>> -> memref<1x8x128xi32, #tpu.memory_space<hbm>>
      %dma_wait3A_140 = tpu.memref_squeeze %dma_wait3A_139 : memref<1x8x128xi32, #tpu.memory_space<hbm>> -> memref<8x128xi32, #tpu.memory_space<hbm>>
      %dma_wait3A_141 = arith.constant 0 : i32
      %dma_wait3A_142 = arith.constant 0 : i32
      %dma_wait3A_143 = tpu.memref_slice %arg3[%add3A, %dma_wait3A_141, %dma_wait3A_142] : memref<32x8x128xi32, #tpu.memory_space<hbm>> -> memref<1x8x128xi32, #tpu.memory_space<hbm>>
      %dma_wait3A_144 = tpu.memref_squeeze %dma_wait3A_143 : memref<1x8x128xi32, #tpu.memory_space<hbm>> -> memref<8x128xi32, #tpu.memory_space<hbm>>
      tpu.wait_dma2 semaphore(%run_scoped3A : memref<!tpu.dma_semaphore, #tpu.memory_space<semaphore_mem>>) src(%dma_wait3A_144 : memref<8x128xi32, #tpu.memory_space<hbm>>) dst(%arg5 : memref<8x128xi32, #tpu.memory_space<vmem>>)
      tpu.yield
    }) : () -> ()
    %dma_start3A = arith.constant 0 : i32
    %dma_start3A_3 = arith.constant 0 : i32
    %dma_start3A_4 = tpu.memref_slice %arg5[%dma_start3A, %dma_start3A_3] : memref<8x128xi32, #tpu.memory_space<vmem>> -> memref<1x128xi32, #tpu.memory_space<vmem>>
    %dma_start3A_5 = tpu.memref_squeeze %dma_start3A_4 : memref<1x128xi32, #tpu.memory_space<vmem>> -> memref<128xi32, #tpu.memory_space<vmem>>
    %dma_start3A_6 = arith.constant 0 : i32
    %dma_start3A_7 = arith.constant 0 : i32
    %dma_start3A_8 = tpu.memref_slice %arg2[%dma_start3A_6, %dma_start3A_7] : memref<8192x256xf32, #tpu.memory_space<hbm>> -> memref<8192x256xf32, #tpu.memory_space<hbm>>
    tpu.enqueue_indirect_dma source(%dma_start3A_8 : memref<8192x256xf32, #tpu.memory_space<hbm>>) target(%arg6 : memref<128x256xf32, #tpu.memory_space<vmem>>) offsets(%dma_start3A_5 : memref<128xi32, #tpu.memory_space<vmem>>) semaphore(%arg8 : memref<!tpu.dma_semaphore, #tpu.memory_space<semaphore_mem>>)
    %dma_wait3A = arith.constant 0 : i32
    %dma_wait3A_9 = arith.constant 0 : i32
    %dma_wait3A_10 = tpu.memref_slice %arg5[%dma_wait3A, %dma_wait3A_9] : memref<8x128xi32, #tpu.memory_space<vmem>> -> memref<1x128xi32, #tpu.memory_space<vmem>>
    %dma_wait3A_11 = tpu.memref_squeeze %dma_wait3A_10 : memref<1x128xi32, #tpu.memory_space<vmem>> -> memref<128xi32, #tpu.memory_space<vmem>>
    %dma_wait3A_12 = arith.constant 0 : i32
    %dma_wait3A_13 = arith.constant 0 : i32
    %dma_wait3A_14 = tpu.memref_slice %arg2[%dma_wait3A_12, %dma_wait3A_13] : memref<8192x256xf32, #tpu.memory_space<hbm>> -> memref<8192x256xf32, #tpu.memory_space<hbm>>
    tpu.wait_indirect_dma semaphore(%arg8 : memref<!tpu.dma_semaphore, #tpu.memory_space<semaphore_mem>>) src(%dma_wait3A_14 : memref<8192x256xf32, #tpu.memory_space<hbm>>) dst(%arg6 : memref<128x256xf32, #tpu.memory_space<vmem>>)
    %dma_start3A_15 = arith.constant 1 : i32
    %dma_start3A_16 = arith.constant 0 : i32
    %dma_start3A_17 = tpu.memref_slice %arg5[%dma_start3A_15, %dma_start3A_16] : memref<8x128xi32, #tpu.memory_space<vmem>> -> memref<1x128xi32, #tpu.memory_space<vmem>>
    %dma_start3A_18 = tpu.memref_squeeze %dma_start3A_17 : memref<1x128xi32, #tpu.memory_space<vmem>> -> memref<128xi32, #tpu.memory_space<vmem>>
    %dma_start3A_19 = arith.constant 0 : i32
    %dma_start3A_20 = arith.constant 0 : i32
    %dma_start3A_21 = tpu.memref_slice %arg2[%dma_start3A_19, %dma_start3A_20] : memref<8192x256xf32, #tpu.memory_space<hbm>> -> memref<8192x256xf32, #tpu.memory_space<hbm>>
    tpu.enqueue_indirect_dma source(%dma_start3A_21 : memref<8192x256xf32, #tpu.memory_space<hbm>>) target(%arg7 : memref<128x256xf32, #tpu.memory_space<vmem>>) offsets(%dma_start3A_18 : memref<128xi32, #tpu.memory_space<vmem>>) semaphore(%arg9 : memref<!tpu.dma_semaphore, #tpu.memory_space<semaphore_mem>>)
    %add3A_22 = arith.constant 0 : i32
    %add3A_23 = arith.addi %mul3A_2, %add3A_22 : i32
    "tpu.region"() ({
      %run_scoped3A = tpu.sem_alloc : memref<!tpu.dma_semaphore, #tpu.memory_space<semaphore_mem>>
      %dma_start3A_129 = arith.constant 0 : i32
      %dma_start3A_130 = tpu.memref_slice %arg4[%add3A_23, %dma_start3A_129] : memref<32768x256xf32, #tpu.memory_space<hbm>> -> memref<128x256xf32, #tpu.memory_space<hbm>>
      %dma_start3A_131 = arith.constant 0 : i32
      %dma_start3A_132 = tpu.memref_slice %arg4[%add3A_23, %dma_start3A_131] : memref<32768x256xf32, #tpu.memory_space<hbm>> -> memref<128x256xf32, #tpu.memory_space<hbm>>
      tpu.enqueue_dma source(%arg6 : memref<128x256xf32, #tpu.memory_space<vmem>>) target(%dma_start3A_132 : memref<128x256xf32, #tpu.memory_space<hbm>>) target_semaphore(%run_scoped3A : memref<!tpu.dma_semaphore, #tpu.memory_space<semaphore_mem>>)
      %dma_wait3A_133 = arith.constant 0 : i32
      %dma_wait3A_134 = tpu.memref_slice %arg4[%add3A_23, %dma_wait3A_133] : memref<32768x256xf32, #tpu.memory_space<hbm>> -> memref<128x256xf32, #tpu.memory_space<hbm>>
      %dma_wait3A_135 = arith.constant 0 : i32
      %dma_wait3A_136 = tpu.memref_slice %arg4[%add3A_23, %dma_wait3A_135] : memref<32768x256xf32, #tpu.memory_space<hbm>> -> memref<128x256xf32, #tpu.memory_space<hbm>>
      tpu.wait_dma2 semaphore(%run_scoped3A : memref<!tpu.dma_semaphore, #tpu.memory_space<semaphore_mem>>) src(%arg6 : memref<128x256xf32, #tpu.memory_space<vmem>>) dst(%dma_wait3A_136 : memref<128x256xf32, #tpu.memory_space<hbm>>)
      tpu.yield
    }) : () -> ()
    %dma_wait3A_24 = arith.constant 1 : i32
    %dma_wait3A_25 = arith.constant 0 : i32
    %dma_wait3A_26 = tpu.memref_slice %arg5[%dma_wait3A_24, %dma_wait3A_25] : memref<8x128xi32, #tpu.memory_space<vmem>> -> memref<1x128xi32, #tpu.memory_space<vmem>>
    %dma_wait3A_27 = tpu.memref_squeeze %dma_wait3A_26 : memref<1x128xi32, #tpu.memory_space<vmem>> -> memref<128xi32, #tpu.memory_space<vmem>>
    %dma_wait3A_28 = arith.constant 0 : i32
    %dma_wait3A_29 = arith.constant 0 : i32
    %dma_wait3A_30 = tpu.memref_slice %arg2[%dma_wait3A_28, %dma_wait3A_29] : memref<8192x256xf32, #tpu.memory_space<hbm>> -> memref<8192x256xf32, #tpu.memory_space<hbm>>
    tpu.wait_indirect_dma semaphore(%arg9 : memref<!tpu.dma_semaphore, #tpu.memory_space<semaphore_mem>>) src(%dma_wait3A_30 : memref<8192x256xf32, #tpu.memory_space<hbm>>) dst(%arg7 : memref<128x256xf32, #tpu.memory_space<vmem>>)
    %dma_start3A_31 = arith.constant 2 : i32
    %dma_start3A_32 = arith.constant 0 : i32
    %dma_start3A_33 = tpu.memref_slice %arg5[%dma_start3A_31, %dma_start3A_32] : memref<8x128xi32, #tpu.memory_space<vmem>> -> memref<1x128xi32, #tpu.memory_space<vmem>>
    %dma_start3A_34 = tpu.memref_squeeze %dma_start3A_33 : memref<1x128xi32, #tpu.memory_space<vmem>> -> memref<128xi32, #tpu.memory_space<vmem>>
    %dma_start3A_35 = arith.constant 0 : i32
    %dma_start3A_36 = arith.constant 0 : i32
    %dma_start3A_37 = tpu.memref_slice %arg2[%dma_start3A_35, %dma_start3A_36] : memref<8192x256xf32, #tpu.memory_space<hbm>> -> memref<8192x256xf32, #tpu.memory_space<hbm>>
    tpu.enqueue_indirect_dma source(%dma_start3A_37 : memref<8192x256xf32, #tpu.memory_space<hbm>>) target(%arg6 : memref<128x256xf32, #tpu.memory_space<vmem>>) offsets(%dma_start3A_34 : memref<128xi32, #tpu.memory_space<vmem>>) semaphore(%arg8 : memref<!tpu.dma_semaphore, #tpu.memory_space<semaphore_mem>>)
    %add3A_38 = arith.constant 128 : i32
    %add3A_39 = arith.addi %mul3A_2, %add3A_38 : i32
    "tpu.region"() ({
      %run_scoped3A = tpu.sem_alloc : memref<!tpu.dma_semaphore, #tpu.memory_space<semaphore_mem>>
      %dma_start3A_129 = arith.constant 0 : i32
      %dma_start3A_130 = tpu.memref_slice %arg4[%add3A_39, %dma_start3A_129] : memref<32768x256xf32, #tpu.memory_space<hbm>> -> memref<128x256xf32, #tpu.memory_space<hbm>>
      %dma_start3A_131 = arith.constant 0 : i32
      %dma_start3A_132 = tpu.memref_slice %arg4[%add3A_39, %dma_start3A_131] : memref<32768x256xf32, #tpu.memory_space<hbm>> -> memref<128x256xf32, #tpu.memory_space<hbm>>
      tpu.enqueue_dma source(%arg7 : memref<128x256xf32, #tpu.memory_space<vmem>>) target(%dma_start3A_132 : memref<128x256xf32, #tpu.memory_space<hbm>>) target_semaphore(%run_scoped3A : memref<!tpu.dma_semaphore, #tpu.memory_space<semaphore_mem>>)
      %dma_wait3A_133 = arith.constant 0 : i32
      %dma_wait3A_134 = tpu.memref_slice %arg4[%add3A_39, %dma_wait3A_133] : memref<32768x256xf32, #tpu.memory_space<hbm>> -> memref<128x256xf32, #tpu.memory_space<hbm>>
      %dma_wait3A_135 = arith.constant 0 : i32
      %dma_wait3A_136 = tpu.memref_slice %arg4[%add3A_39, %dma_wait3A_135] : memref<32768x256xf32, #tpu.memory_space<hbm>> -> memref<128x256xf32, #tpu.memory_space<hbm>>
      tpu.wait_dma2 semaphore(%run_scoped3A : memref<!tpu.dma_semaphore, #tpu.memory_space<semaphore_mem>>) src(%arg7 : memref<128x256xf32, #tpu.memory_space<vmem>>) dst(%dma_wait3A_136 : memref<128x256xf32, #tpu.memory_space<hbm>>)
      tpu.yield
    }) : () -> ()
    %dma_wait3A_40 = arith.constant 2 : i32
    %dma_wait3A_41 = arith.constant 0 : i32
    %dma_wait3A_42 = tpu.memref_slice %arg5[%dma_wait3A_40, %dma_wait3A_41] : memref<8x128xi32, #tpu.memory_space<vmem>> -> memref<1x128xi32, #tpu.memory_space<vmem>>
    %dma_wait3A_43 = tpu.memref_squeeze %dma_wait3A_42 : memref<1x128xi32, #tpu.memory_space<vmem>> -> memref<128xi32, #tpu.memory_space<vmem>>
    %dma_wait3A_44 = arith.constant 0 : i32
    %dma_wait3A_45 = arith.constant 0 : i32
    %dma_wait3A_46 = tpu.memref_slice %arg2[%dma_wait3A_44, %dma_wait3A_45] : memref<8192x256xf32, #tpu.memory_space<hbm>> -> memref<8192x256xf32, #tpu.memory_space<hbm>>
    tpu.wait_indirect_dma semaphore(%arg8 : memref<!tpu.dma_semaphore, #tpu.memory_space<semaphore_mem>>) src(%dma_wait3A_46 : memref<8192x256xf32, #tpu.memory_space<hbm>>) dst(%arg6 : memref<128x256xf32, #tpu.memory_space<vmem>>)
    %dma_start3A_47 = arith.constant 3 : i32
    %dma_start3A_48 = arith.constant 0 : i32
    %dma_start3A_49 = tpu.memref_slice %arg5[%dma_start3A_47, %dma_start3A_48] : memref<8x128xi32, #tpu.memory_space<vmem>> -> memref<1x128xi32, #tpu.memory_space<vmem>>
    %dma_start3A_50 = tpu.memref_squeeze %dma_start3A_49 : memref<1x128xi32, #tpu.memory_space<vmem>> -> memref<128xi32, #tpu.memory_space<vmem>>
    %dma_start3A_51 = arith.constant 0 : i32
    %dma_start3A_52 = arith.constant 0 : i32
    %dma_start3A_53 = tpu.memref_slice %arg2[%dma_start3A_51, %dma_start3A_52] : memref<8192x256xf32, #tpu.memory_space<hbm>> -> memref<8192x256xf32, #tpu.memory_space<hbm>>
    tpu.enqueue_indirect_dma source(%dma_start3A_53 : memref<8192x256xf32, #tpu.memory_space<hbm>>) target(%arg7 : memref<128x256xf32, #tpu.memory_space<vmem>>) offsets(%dma_start3A_50 : memref<128xi32, #tpu.memory_space<vmem>>) semaphore(%arg9 : memref<!tpu.dma_semaphore, #tpu.memory_space<semaphore_mem>>)
    %add3A_54 = arith.constant 256 : i32
    %add3A_55 = arith.addi %mul3A_2, %add3A_54 : i32
    "tpu.region"() ({
      %run_scoped3A = tpu.sem_alloc : memref<!tpu.dma_semaphore, #tpu.memory_space<semaphore_mem>>
      %dma_start3A_129 = arith.constant 0 : i32
      %dma_start3A_130 = tpu.memref_slice %arg4[%add3A_55, %dma_start3A_129] : memref<32768x256xf32, #tpu.memory_space<hbm>> -> memref<128x256xf32, #tpu.memory_space<hbm>>
      %dma_start3A_131 = arith.constant 0 : i32
      %dma_start3A_132 = tpu.memref_slice %arg4[%add3A_55, %dma_start3A_131] : memref<32768x256xf32, #tpu.memory_space<hbm>> -> memref<128x256xf32, #tpu.memory_space<hbm>>
      tpu.enqueue_dma source(%arg6 : memref<128x256xf32, #tpu.memory_space<vmem>>) target(%dma_start3A_132 : memref<128x256xf32, #tpu.memory_space<hbm>>) target_semaphore(%run_scoped3A : memref<!tpu.dma_semaphore, #tpu.memory_space<semaphore_mem>>)
      %dma_wait3A_133 = arith.constant 0 : i32
      %dma_wait3A_134 = tpu.memref_slice %arg4[%add3A_55, %dma_wait3A_133] : memref<32768x256xf32, #tpu.memory_space<hbm>> -> memref<128x256xf32, #tpu.memory_space<hbm>>
      %dma_wait3A_135 = arith.constant 0 : i32
      %dma_wait3A_136 = tpu.memref_slice %arg4[%add3A_55, %dma_wait3A_135] : memref<32768x256xf32, #tpu.memory_space<hbm>> -> memref<128x256xf32, #tpu.memory_space<hbm>>
      tpu.wait_dma2 semaphore(%run_scoped3A : memref<!tpu.dma_semaphore, #tpu.memory_space<semaphore_mem>>) src(%arg6 : memref<128x256xf32, #tpu.memory_space<vmem>>) dst(%dma_wait3A_136 : memref<128x256xf32, #tpu.memory_space<hbm>>)
      tpu.yield
    }) : () -> ()
    %dma_wait3A_56 = arith.constant 3 : i32
    %dma_wait3A_57 = arith.constant 0 : i32
    %dma_wait3A_58 = tpu.memref_slice %arg5[%dma_wait3A_56, %dma_wait3A_57] : memref<8x128xi32, #tpu.memory_space<vmem>> -> memref<1x128xi32, #tpu.memory_space<vmem>>
    %dma_wait3A_59 = tpu.memref_squeeze %dma_wait3A_58 : memref<1x128xi32, #tpu.memory_space<vmem>> -> memref<128xi32, #tpu.memory_space<vmem>>
    %dma_wait3A_60 = arith.constant 0 : i32
    %dma_wait3A_61 = arith.constant 0 : i32
    %dma_wait3A_62 = tpu.memref_slice %arg2[%dma_wait3A_60, %dma_wait3A_61] : memref<8192x256xf32, #tpu.memory_space<hbm>> -> memref<8192x256xf32, #tpu.memory_space<hbm>>
    tpu.wait_indirect_dma semaphore(%arg9 : memref<!tpu.dma_semaphore, #tpu.memory_space<semaphore_mem>>) src(%dma_wait3A_62 : memref<8192x256xf32, #tpu.memory_space<hbm>>) dst(%arg7 : memref<128x256xf32, #tpu.memory_space<vmem>>)
    %dma_start3A_63 = arith.constant 4 : i32
    %dma_start3A_64 = arith.constant 0 : i32
    %dma_start3A_65 = tpu.memref_slice %arg5[%dma_start3A_63, %dma_start3A_64] : memref<8x128xi32, #tpu.memory_space<vmem>> -> memref<1x128xi32, #tpu.memory_space<vmem>>
    %dma_start3A_66 = tpu.memref_squeeze %dma_start3A_65 : memref<1x128xi32, #tpu.memory_space<vmem>> -> memref<128xi32, #tpu.memory_space<vmem>>
    %dma_start3A_67 = arith.constant 0 : i32
    %dma_start3A_68 = arith.constant 0 : i32
    %dma_start3A_69 = tpu.memref_slice %arg2[%dma_start3A_67, %dma_start3A_68] : memref<8192x256xf32, #tpu.memory_space<hbm>> -> memref<8192x256xf32, #tpu.memory_space<hbm>>
    tpu.enqueue_indirect_dma source(%dma_start3A_69 : memref<8192x256xf32, #tpu.memory_space<hbm>>) target(%arg6 : memref<128x256xf32, #tpu.memory_space<vmem>>) offsets(%dma_start3A_66 : memref<128xi32, #tpu.memory_space<vmem>>) semaphore(%arg8 : memref<!tpu.dma_semaphore, #tpu.memory_space<semaphore_mem>>)
    %add3A_70 = arith.constant 384 : i32
    %add3A_71 = arith.addi %mul3A_2, %add3A_70 : i32
    "tpu.region"() ({
      %run_scoped3A = tpu.sem_alloc : memref<!tpu.dma_semaphore, #tpu.memory_space<semaphore_mem>>
      %dma_start3A_129 = arith.constant 0 : i32
      %dma_start3A_130 = tpu.memref_slice %arg4[%add3A_71, %dma_start3A_129] : memref<32768x256xf32, #tpu.memory_space<hbm>> -> memref<128x256xf32, #tpu.memory_space<hbm>>
      %dma_start3A_131 = arith.constant 0 : i32
      %dma_start3A_132 = tpu.memref_slice %arg4[%add3A_71, %dma_start3A_131] : memref<32768x256xf32, #tpu.memory_space<hbm>> -> memref<128x256xf32, #tpu.memory_space<hbm>>
      tpu.enqueue_dma source(%arg7 : memref<128x256xf32, #tpu.memory_space<vmem>>) target(%dma_start3A_132 : memref<128x256xf32, #tpu.memory_space<hbm>>) target_semaphore(%run_scoped3A : memref<!tpu.dma_semaphore, #tpu.memory_space<semaphore_mem>>)
      %dma_wait3A_133 = arith.constant 0 : i32
      %dma_wait3A_134 = tpu.memref_slice %arg4[%add3A_71, %dma_wait3A_133] : memref<32768x256xf32, #tpu.memory_space<hbm>> -> memref<128x256xf32, #tpu.memory_space<hbm>>
      %dma_wait3A_135 = arith.constant 0 : i32
      %dma_wait3A_136 = tpu.memref_slice %arg4[%add3A_71, %dma_wait3A_135] : memref<32768x256xf32, #tpu.memory_space<hbm>> -> memref<128x256xf32, #tpu.memory_space<hbm>>
      tpu.wait_dma2 semaphore(%run_scoped3A : memref<!tpu.dma_semaphore, #tpu.memory_space<semaphore_mem>>) src(%arg7 : memref<128x256xf32, #tpu.memory_space<vmem>>) dst(%dma_wait3A_136 : memref<128x256xf32, #tpu.memory_space<hbm>>)
      tpu.yield
    }) : () -> ()
    %dma_wait3A_72 = arith.constant 4 : i32
    %dma_wait3A_73 = arith.constant 0 : i32
    %dma_wait3A_74 = tpu.memref_slice %arg5[%dma_wait3A_72, %dma_wait3A_73] : memref<8x128xi32, #tpu.memory_space<vmem>> -> memref<1x128xi32, #tpu.memory_space<vmem>>
    %dma_wait3A_75 = tpu.memref_squeeze %dma_wait3A_74 : memref<1x128xi32, #tpu.memory_space<vmem>> -> memref<128xi32, #tpu.memory_space<vmem>>
    %dma_wait3A_76 = arith.constant 0 : i32
    %dma_wait3A_77 = arith.constant 0 : i32
    %dma_wait3A_78 = tpu.memref_slice %arg2[%dma_wait3A_76, %dma_wait3A_77] : memref<8192x256xf32, #tpu.memory_space<hbm>> -> memref<8192x256xf32, #tpu.memory_space<hbm>>
    tpu.wait_indirect_dma semaphore(%arg8 : memref<!tpu.dma_semaphore, #tpu.memory_space<semaphore_mem>>) src(%dma_wait3A_78 : memref<8192x256xf32, #tpu.memory_space<hbm>>) dst(%arg6 : memref<128x256xf32, #tpu.memory_space<vmem>>)
    %dma_start3A_79 = arith.constant 5 : i32
    %dma_start3A_80 = arith.constant 0 : i32
    %dma_start3A_81 = tpu.memref_slice %arg5[%dma_start3A_79, %dma_start3A_80] : memref<8x128xi32, #tpu.memory_space<vmem>> -> memref<1x128xi32, #tpu.memory_space<vmem>>
    %dma_start3A_82 = tpu.memref_squeeze %dma_start3A_81 : memref<1x128xi32, #tpu.memory_space<vmem>> -> memref<128xi32, #tpu.memory_space<vmem>>
    %dma_start3A_83 = arith.constant 0 : i32
    %dma_start3A_84 = arith.constant 0 : i32
    %dma_start3A_85 = tpu.memref_slice %arg2[%dma_start3A_83, %dma_start3A_84] : memref<8192x256xf32, #tpu.memory_space<hbm>> -> memref<8192x256xf32, #tpu.memory_space<hbm>>
    tpu.enqueue_indirect_dma source(%dma_start3A_85 : memref<8192x256xf32, #tpu.memory_space<hbm>>) target(%arg7 : memref<128x256xf32, #tpu.memory_space<vmem>>) offsets(%dma_start3A_82 : memref<128xi32, #tpu.memory_space<vmem>>) semaphore(%arg9 : memref<!tpu.dma_semaphore, #tpu.memory_space<semaphore_mem>>)
    %add3A_86 = arith.constant 512 : i32
    %add3A_87 = arith.addi %mul3A_2, %add3A_86 : i32
    "tpu.region"() ({
      %run_scoped3A = tpu.sem_alloc : memref<!tpu.dma_semaphore, #tpu.memory_space<semaphore_mem>>
      %dma_start3A_129 = arith.constant 0 : i32
      %dma_start3A_130 = tpu.memref_slice %arg4[%add3A_87, %dma_start3A_129] : memref<32768x256xf32, #tpu.memory_space<hbm>> -> memref<128x256xf32, #tpu.memory_space<hbm>>
      %dma_start3A_131 = arith.constant 0 : i32
      %dma_start3A_132 = tpu.memref_slice %arg4[%add3A_87, %dma_start3A_131] : memref<32768x256xf32, #tpu.memory_space<hbm>> -> memref<128x256xf32, #tpu.memory_space<hbm>>
      tpu.enqueue_dma source(%arg6 : memref<128x256xf32, #tpu.memory_space<vmem>>) target(%dma_start3A_132 : memref<128x256xf32, #tpu.memory_space<hbm>>) target_semaphore(%run_scoped3A : memref<!tpu.dma_semaphore, #tpu.memory_space<semaphore_mem>>)
      %dma_wait3A_133 = arith.constant 0 : i32
      %dma_wait3A_134 = tpu.memref_slice %arg4[%add3A_87, %dma_wait3A_133] : memref<32768x256xf32, #tpu.memory_space<hbm>> -> memref<128x256xf32, #tpu.memory_space<hbm>>
      %dma_wait3A_135 = arith.constant 0 : i32
      %dma_wait3A_136 = tpu.memref_slice %arg4[%add3A_87, %dma_wait3A_135] : memref<32768x256xf32, #tpu.memory_space<hbm>> -> memref<128x256xf32, #tpu.memory_space<hbm>>
      tpu.wait_dma2 semaphore(%run_scoped3A : memref<!tpu.dma_semaphore, #tpu.memory_space<semaphore_mem>>) src(%arg6 : memref<128x256xf32, #tpu.memory_space<vmem>>) dst(%dma_wait3A_136 : memref<128x256xf32, #tpu.memory_space<hbm>>)
      tpu.yield
    }) : () -> ()
    %dma_wait3A_88 = arith.constant 5 : i32
    %dma_wait3A_89 = arith.constant 0 : i32
    %dma_wait3A_90 = tpu.memref_slice %arg5[%dma_wait3A_88, %dma_wait3A_89] : memref<8x128xi32, #tpu.memory_space<vmem>> -> memref<1x128xi32, #tpu.memory_space<vmem>>
    %dma_wait3A_91 = tpu.memref_squeeze %dma_wait3A_90 : memref<1x128xi32, #tpu.memory_space<vmem>> -> memref<128xi32, #tpu.memory_space<vmem>>
    %dma_wait3A_92 = arith.constant 0 : i32
    %dma_wait3A_93 = arith.constant 0 : i32
    %dma_wait3A_94 = tpu.memref_slice %arg2[%dma_wait3A_92, %dma_wait3A_93] : memref<8192x256xf32, #tpu.memory_space<hbm>> -> memref<8192x256xf32, #tpu.memory_space<hbm>>
    tpu.wait_indirect_dma semaphore(%arg9 : memref<!tpu.dma_semaphore, #tpu.memory_space<semaphore_mem>>) src(%dma_wait3A_94 : memref<8192x256xf32, #tpu.memory_space<hbm>>) dst(%arg7 : memref<128x256xf32, #tpu.memory_space<vmem>>)
    %dma_start3A_95 = arith.constant 6 : i32
    %dma_start3A_96 = arith.constant 0 : i32
    %dma_start3A_97 = tpu.memref_slice %arg5[%dma_start3A_95, %dma_start3A_96] : memref<8x128xi32, #tpu.memory_space<vmem>> -> memref<1x128xi32, #tpu.memory_space<vmem>>
    %dma_start3A_98 = tpu.memref_squeeze %dma_start3A_97 : memref<1x128xi32, #tpu.memory_space<vmem>> -> memref<128xi32, #tpu.memory_space<vmem>>
    %dma_start3A_99 = arith.constant 0 : i32
    %dma_start3A_100 = arith.constant 0 : i32
    %dma_start3A_101 = tpu.memref_slice %arg2[%dma_start3A_99, %dma_start3A_100] : memref<8192x256xf32, #tpu.memory_space<hbm>> -> memref<8192x256xf32, #tpu.memory_space<hbm>>
    tpu.enqueue_indirect_dma source(%dma_start3A_101 : memref<8192x256xf32, #tpu.memory_space<hbm>>) target(%arg6 : memref<128x256xf32, #tpu.memory_space<vmem>>) offsets(%dma_start3A_98 : memref<128xi32, #tpu.memory_space<vmem>>) semaphore(%arg8 : memref<!tpu.dma_semaphore, #tpu.memory_space<semaphore_mem>>)
    %add3A_102 = arith.constant 640 : i32
    %add3A_103 = arith.addi %mul3A_2, %add3A_102 : i32
    "tpu.region"() ({
      %run_scoped3A = tpu.sem_alloc : memref<!tpu.dma_semaphore, #tpu.memory_space<semaphore_mem>>
      %dma_start3A_129 = arith.constant 0 : i32
      %dma_start3A_130 = tpu.memref_slice %arg4[%add3A_103, %dma_start3A_129] : memref<32768x256xf32, #tpu.memory_space<hbm>> -> memref<128x256xf32, #tpu.memory_space<hbm>>
      %dma_start3A_131 = arith.constant 0 : i32
      %dma_start3A_132 = tpu.memref_slice %arg4[%add3A_103, %dma_start3A_131] : memref<32768x256xf32, #tpu.memory_space<hbm>> -> memref<128x256xf32, #tpu.memory_space<hbm>>
      tpu.enqueue_dma source(%arg7 : memref<128x256xf32, #tpu.memory_space<vmem>>) target(%dma_start3A_132 : memref<128x256xf32, #tpu.memory_space<hbm>>) target_semaphore(%run_scoped3A : memref<!tpu.dma_semaphore, #tpu.memory_space<semaphore_mem>>)
      %dma_wait3A_133 = arith.constant 0 : i32
      %dma_wait3A_134 = tpu.memref_slice %arg4[%add3A_103, %dma_wait3A_133] : memref<32768x256xf32, #tpu.memory_space<hbm>> -> memref<128x256xf32, #tpu.memory_space<hbm>>
      %dma_wait3A_135 = arith.constant 0 : i32
      %dma_wait3A_136 = tpu.memref_slice %arg4[%add3A_103, %dma_wait3A_135] : memref<32768x256xf32, #tpu.memory_space<hbm>> -> memref<128x256xf32, #tpu.memory_space<hbm>>
      tpu.wait_dma2 semaphore(%run_scoped3A : memref<!tpu.dma_semaphore, #tpu.memory_space<semaphore_mem>>) src(%arg7 : memref<128x256xf32, #tpu.memory_space<vmem>>) dst(%dma_wait3A_136 : memref<128x256xf32, #tpu.memory_space<hbm>>)
      tpu.yield
    }) : () -> ()
    %dma_wait3A_104 = arith.constant 6 : i32
    %dma_wait3A_105 = arith.constant 0 : i32
    %dma_wait3A_106 = tpu.memref_slice %arg5[%dma_wait3A_104, %dma_wait3A_105] : memref<8x128xi32, #tpu.memory_space<vmem>> -> memref<1x128xi32, #tpu.memory_space<vmem>>
    %dma_wait3A_107 = tpu.memref_squeeze %dma_wait3A_106 : memref<1x128xi32, #tpu.memory_space<vmem>> -> memref<128xi32, #tpu.memory_space<vmem>>
    %dma_wait3A_108 = arith.constant 0 : i32
    %dma_wait3A_109 = arith.constant 0 : i32
    %dma_wait3A_110 = tpu.memref_slice %arg2[%dma_wait3A_108, %dma_wait3A_109] : memref<8192x256xf32, #tpu.memory_space<hbm>> -> memref<8192x256xf32, #tpu.memory_space<hbm>>
    tpu.wait_indirect_dma semaphore(%arg8 : memref<!tpu.dma_semaphore, #tpu.memory_space<semaphore_mem>>) src(%dma_wait3A_110 : memref<8192x256xf32, #tpu.memory_space<hbm>>) dst(%arg6 : memref<128x256xf32, #tpu.memory_space<vmem>>)
    %dma_start3A_111 = arith.constant 7 : i32
    %dma_start3A_112 = arith.constant 0 : i32
    %dma_start3A_113 = tpu.memref_slice %arg5[%dma_start3A_111, %dma_start3A_112] : memref<8x128xi32, #tpu.memory_space<vmem>> -> memref<1x128xi32, #tpu.memory_space<vmem>>
    %dma_start3A_114 = tpu.memref_squeeze %dma_start3A_113 : memref<1x128xi32, #tpu.memory_space<vmem>> -> memref<128xi32, #tpu.memory_space<vmem>>
    %dma_start3A_115 = arith.constant 0 : i32
    %dma_start3A_116 = arith.constant 0 : i32
    %dma_start3A_117 = tpu.memref_slice %arg2[%dma_start3A_115, %dma_start3A_116] : memref<8192x256xf32, #tpu.memory_space<hbm>> -> memref<8192x256xf32, #tpu.memory_space<hbm>>
    tpu.enqueue_indirect_dma source(%dma_start3A_117 : memref<8192x256xf32, #tpu.memory_space<hbm>>) target(%arg7 : memref<128x256xf32, #tpu.memory_space<vmem>>) offsets(%dma_start3A_114 : memref<128xi32, #tpu.memory_space<vmem>>) semaphore(%arg9 : memref<!tpu.dma_semaphore, #tpu.memory_space<semaphore_mem>>)
    %add3A_118 = arith.constant 768 : i32
    %add3A_119 = arith.addi %mul3A_2, %add3A_118 : i32
    "tpu.region"() ({
      %run_scoped3A = tpu.sem_alloc : memref<!tpu.dma_semaphore, #tpu.memory_space<semaphore_mem>>
      %dma_start3A_129 = arith.constant 0 : i32
      %dma_start3A_130 = tpu.memref_slice %arg4[%add3A_119, %dma_start3A_129] : memref<32768x256xf32, #tpu.memory_space<hbm>> -> memref<128x256xf32, #tpu.memory_space<hbm>>
      %dma_start3A_131 = arith.constant 0 : i32
      %dma_start3A_132 = tpu.memref_slice %arg4[%add3A_119, %dma_start3A_131] : memref<32768x256xf32, #tpu.memory_space<hbm>> -> memref<128x256xf32, #tpu.memory_space<hbm>>
      tpu.enqueue_dma source(%arg6 : memref<128x256xf32, #tpu.memory_space<vmem>>) target(%dma_start3A_132 : memref<128x256xf32, #tpu.memory_space<hbm>>) target_semaphore(%run_scoped3A : memref<!tpu.dma_semaphore, #tpu.memory_space<semaphore_mem>>)
      %dma_wait3A_133 = arith.constant 0 : i32
      %dma_wait3A_134 = tpu.memref_slice %arg4[%add3A_119, %dma_wait3A_133] : memref<32768x256xf32, #tpu.memory_space<hbm>> -> memref<128x256xf32, #tpu.memory_space<hbm>>
      %dma_wait3A_135 = arith.constant 0 : i32
      %dma_wait3A_136 = tpu.memref_slice %arg4[%add3A_119, %dma_wait3A_135] : memref<32768x256xf32, #tpu.memory_space<hbm>> -> memref<128x256xf32, #tpu.memory_space<hbm>>
      tpu.wait_dma2 semaphore(%run_scoped3A : memref<!tpu.dma_semaphore, #tpu.memory_space<semaphore_mem>>) src(%arg6 : memref<128x256xf32, #tpu.memory_space<vmem>>) dst(%dma_wait3A_136 : memref<128x256xf32, #tpu.memory_space<hbm>>)
      tpu.yield
    }) : () -> ()
    %dma_wait3A_120 = arith.constant 7 : i32
    %dma_wait3A_121 = arith.constant 0 : i32
    %dma_wait3A_122 = tpu.memref_slice %arg5[%dma_wait3A_120, %dma_wait3A_121] : memref<8x128xi32, #tpu.memory_space<vmem>> -> memref<1x128xi32, #tpu.memory_space<vmem>>
    %dma_wait3A_123 = tpu.memref_squeeze %dma_wait3A_122 : memref<1x128xi32, #tpu.memory_space<vmem>> -> memref<128xi32, #tpu.memory_space<vmem>>
    %dma_wait3A_124 = arith.constant 0 : i32
    %dma_wait3A_125 = arith.constant 0 : i32
    %dma_wait3A_126 = tpu.memref_slice %arg2[%dma_wait3A_124, %dma_wait3A_125] : memref<8192x256xf32, #tpu.memory_space<hbm>> -> memref<8192x256xf32, #tpu.memory_space<hbm>>
    tpu.wait_indirect_dma semaphore(%arg9 : memref<!tpu.dma_semaphore, #tpu.memory_space<semaphore_mem>>) src(%dma_wait3A_126 : memref<8192x256xf32, #tpu.memory_space<hbm>>) dst(%arg7 : memref<128x256xf32, #tpu.memory_space<vmem>>)
    %add3A_127 = arith.constant 896 : i32
    %add3A_128 = arith.addi %mul3A_2, %add3A_127 : i32
    "tpu.region"() ({
      %run_scoped3A = tpu.sem_alloc : memref<!tpu.dma_semaphore, #tpu.memory_space<semaphore_mem>>
      %dma_start3A_129 = arith.constant 0 : i32
      %dma_start3A_130 = tpu.memref_slice %arg4[%add3A_128, %dma_start3A_129] : memref<32768x256xf32, #tpu.memory_space<hbm>> -> memref<128x256xf32, #tpu.memory_space<hbm>>
      %dma_start3A_131 = arith.constant 0 : i32
      %dma_start3A_132 = tpu.memref_slice %arg4[%add3A_128, %dma_start3A_131] : memref<32768x256xf32, #tpu.memory_space<hbm>> -> memref<128x256xf32, #tpu.memory_space<hbm>>
      tpu.enqueue_dma source(%arg7 : memref<128x256xf32, #tpu.memory_space<vmem>>) target(%dma_start3A_132 : memref<128x256xf32, #tpu.memory_space<hbm>>) target_semaphore(%run_scoped3A : memref<!tpu.dma_semaphore, #tpu.memory_space<semaphore_mem>>)
      %dma_wait3A_133 = arith.constant 0 : i32
      %dma_wait3A_134 = tpu.memref_slice %arg4[%add3A_128, %dma_wait3A_133] : memref<32768x256xf32, #tpu.memory_space<hbm>> -> memref<128x256xf32, #tpu.memory_space<hbm>>
      %dma_wait3A_135 = arith.constant 0 : i32
      %dma_wait3A_136 = tpu.memref_slice %arg4[%add3A_128, %dma_wait3A_135] : memref<32768x256xf32, #tpu.memory_space<hbm>> -> memref<128x256xf32, #tpu.memory_space<hbm>>
      tpu.wait_dma2 semaphore(%run_scoped3A : memref<!tpu.dma_semaphore, #tpu.memory_space<semaphore_mem>>) src(%arg7 : memref<128x256xf32, #tpu.memory_space<vmem>>) dst(%dma_wait3A_136 : memref<128x256xf32, #tpu.memory_space<hbm>>)
      tpu.yield
    }) : () -> ()
    return
  }
}

module attributes {stable_mosaic.version = 14 : i64} {
  func.func @_vq_body(%arg0: i32, %arg1: i32, %arg2: memref<1x256x1024xf32, #tpu.memory_space<vmem>>, %arg3: memref<1x1x1024xf32, #tpu.memory_space<vmem>>, %arg4: memref<8192x1xf32, #tpu.memory_space<vmem>>, %arg5: memref<8192x256xf32, #tpu.memory_space<vmem>>, %arg6: memref<1x1x2048xi32, #tpu.memory_space<vmem>>, %arg7: memref<1x1x128xf32, #tpu.memory_space<vmem>>) attributes {dimension_semantics = [#tpu.dimension_semantics<parallel>, #tpu.dimension_semantics<arbitrary>], iteration_bounds = array<i64: 16, 2>, scalar_prefetch = 0 : i64, scratch_operands = 0 : i64, tpu.core_type = #tpu.core_type<tc>, window_params = [{transform_indices = @transform_0, window_bounds = array<i64: 1, 256, 1024>}, {transform_indices = @transform_1, window_bounds = array<i64: 1, 1, 1024>}, {pipeline_mode = #tpu.pipeline_mode<synchronous>, transform_indices = @transform_2, window_bounds = array<i64: 8192, 1>}, {pipeline_mode = #tpu.pipeline_mode<synchronous>, transform_indices = @transform_3, window_bounds = array<i64: 8192, 256>}, {transform_indices = @transform_4, window_bounds = array<i64: 1, 1, 2048>}, {transform_indices = @transform_5, window_bounds = array<i64: 1, 1, 128>}]} {
    %get3A = arith.constant 0 : index
    %get3A_0 = arith.constant 0 : index
    %get3A_1 = arith.constant 0 : index
    %get3A_2 = vector.load %arg2[%get3A, %get3A_0, %get3A_1] : memref<1x256x1024xf32, #tpu.memory_space<vmem>>, vector<1x256x1024xf32>
    %get3A_3 = vector.shape_cast %get3A_2 : vector<1x256x1024xf32> to vector<256x1024xf32>
    %get3A_4 = arith.constant 0 : index
    %get3A_5 = arith.constant 0 : index
    %get3A_6 = arith.constant 0 : index
    %get3A_7 = vector.load %arg3[%get3A_4, %get3A_5, %get3A_6] : memref<1x1x1024xf32, #tpu.memory_space<vmem>>, vector<1x1x1024xf32>
    %get3A_8 = vector.shape_cast %get3A_7 : vector<1x1x1024xf32> to vector<1024xf32>
    %get3A_9 = arith.constant 0 : index
    %get3A_10 = arith.constant 0 : index
    %get3A_11 = vector.load %arg5[%get3A_9, %get3A_10] : memref<8192x256xf32, #tpu.memory_space<vmem>>, vector<2736x256xf32>
    %get3A_12 = arith.constant 0 : index
    %get3A_13 = arith.constant 0 : index
    %get3A_14 = vector.load %arg4[%get3A_12, %get3A_13] : memref<8192x1xf32, #tpu.memory_space<vmem>>, vector<2736x1xf32>
    %dot_general3A = arith.constant dense<0.000000e+00> : vector<2736x1024xf32>
    %dot_general3A_15 = tpu.matmul %get3A_11, %get3A_3, %dot_general3A {dimension_numbers = #tpu.dot_dimension_numbers<[1], [0], [0], [1], [0, 0, 1, 1], [], []>, transpose_lhs_hint = false} : vector<2736x256xf32>, vector<256x1024xf32>, vector<2736x1024xf32> -> vector<2736x1024xf32>
    %broadcast_in_dim3A = vector.shape_cast %get3A_8 : vector<1024xf32> to vector<1x1024xf32>
    %add3A = vector.broadcast %broadcast_in_dim3A : vector<1x1024xf32> to vector<2736x1024xf32>
    %add3A_16 = vector.broadcast %get3A_14 : vector<2736x1xf32> to vector<2736x1024xf32>
    %add3A_17 = arith.addf %add3A, %add3A_16 : vector<2736x1024xf32>
    %sub3A = arith.subf %add3A_17, %dot_general3A_15 : vector<2736x1024xf32>
    %reduce_min3A = arith.constant dense<0x7F800000> : vector<1024xf32>
    %reduce_min3A_18 = vector.multi_reduction <minimumf>, %sub3A, %reduce_min3A [0] : vector<2736x1024xf32> to vector<1024xf32>
    %iota3A = tpu.iota {dimensions = array<i32: 0>} : vector<2736x1024xi32>
    %add3A_19 = arith.constant 0 : i32
    %add3A_20 = vector.broadcast %add3A_19 : i32 to vector<2736x1024xi32>
    %add3A_21 = arith.addi %iota3A, %add3A_20 : vector<2736x1024xi32>
    %broadcast_in_dim3A_22 = vector.shape_cast %reduce_min3A_18 : vector<1024xf32> to vector<1x1024xf32>
    %eq3A = vector.broadcast %broadcast_in_dim3A_22 : vector<1x1024xf32> to vector<2736x1024xf32>
    %eq3A_23 = arith.cmpf oeq, %sub3A, %eq3A : vector<2736x1024xf32>
    %jit3A = arith.constant 8192 : i32
    %broadcast_in_dim3A_24 = vector.broadcast %jit3A : i32 to vector<2736x1024xi32>
    %select_n3A = arith.select %eq3A_23, %add3A_21, %broadcast_in_dim3A_24 : vector<2736x1024xi1>, vector<2736x1024xi32>
    %reduce_min3A_25 = arith.constant dense<2147483647> : vector<1024xi32>
    %reduce_min3A_26 = vector.multi_reduction <minsi>, %select_n3A, %reduce_min3A_25 [0] : vector<2736x1024xi32> to vector<1024xi32>
    %convert_element_type3A = arith.truncf %reduce_min3A_18 : vector<1024xf32> to vector<1024xbf16>
    %convert_element_type3A_27 = arith.extf %convert_element_type3A : vector<1024xbf16> to vector<1024xf32>
    %get3A_28 = arith.constant 2736 : index
    %get3A_29 = arith.constant 0 : index
    %get3A_30 = vector.load %arg5[%get3A_28, %get3A_29] : memref<8192x256xf32, #tpu.memory_space<vmem>>, vector<2736x256xf32>
    %get3A_31 = arith.constant 2736 : index
    %get3A_32 = arith.constant 0 : index
    %get3A_33 = vector.load %arg4[%get3A_31, %get3A_32] : memref<8192x1xf32, #tpu.memory_space<vmem>>, vector<2736x1xf32>
    %dot_general3A_34 = arith.constant dense<0.000000e+00> : vector<2736x1024xf32>
    %dot_general3A_35 = tpu.matmul %get3A_30, %get3A_3, %dot_general3A_34 {dimension_numbers = #tpu.dot_dimension_numbers<[1], [0], [0], [1], [0, 0, 1, 1], [], []>, transpose_lhs_hint = false} : vector<2736x256xf32>, vector<256x1024xf32>, vector<2736x1024xf32> -> vector<2736x1024xf32>
    %broadcast_in_dim3A_36 = vector.shape_cast %get3A_8 : vector<1024xf32> to vector<1x1024xf32>
    %add3A_37 = vector.broadcast %broadcast_in_dim3A_36 : vector<1x1024xf32> to vector<2736x1024xf32>
    %add3A_38 = vector.broadcast %get3A_33 : vector<2736x1xf32> to vector<2736x1024xf32>
    %add3A_39 = arith.addf %add3A_37, %add3A_38 : vector<2736x1024xf32>
    %sub3A_40 = arith.subf %add3A_39, %dot_general3A_35 : vector<2736x1024xf32>
    %reduce_min3A_41 = arith.constant dense<0x7F800000> : vector<1024xf32>
    %reduce_min3A_42 = vector.multi_reduction <minimumf>, %sub3A_40, %reduce_min3A_41 [0] : vector<2736x1024xf32> to vector<1024xf32>
    %iota3A_43 = tpu.iota {dimensions = array<i32: 0>} : vector<2736x1024xi32>
    %add3A_44 = arith.constant 2736 : i32
    %add3A_45 = vector.broadcast %add3A_44 : i32 to vector<2736x1024xi32>
    %add3A_46 = arith.addi %iota3A_43, %add3A_45 : vector<2736x1024xi32>
    %broadcast_in_dim3A_47 = vector.shape_cast %reduce_min3A_42 : vector<1024xf32> to vector<1x1024xf32>
    %eq3A_48 = vector.broadcast %broadcast_in_dim3A_47 : vector<1x1024xf32> to vector<2736x1024xf32>
    %eq3A_49 = arith.cmpf oeq, %sub3A_40, %eq3A_48 : vector<2736x1024xf32>
    %jit3A_50 = arith.constant 8192 : i32
    %broadcast_in_dim3A_51 = vector.broadcast %jit3A_50 : i32 to vector<2736x1024xi32>
    %select_n3A_52 = arith.select %eq3A_49, %add3A_46, %broadcast_in_dim3A_51 : vector<2736x1024xi1>, vector<2736x1024xi32>
    %reduce_min3A_53 = arith.constant dense<2147483647> : vector<1024xi32>
    %reduce_min3A_54 = vector.multi_reduction <minsi>, %select_n3A_52, %reduce_min3A_53 [0] : vector<2736x1024xi32> to vector<1024xi32>
    %lt3A = arith.cmpf olt, %reduce_min3A_42, %convert_element_type3A_27 : vector<1024xf32>
    %select_n3A_55 = arith.select %lt3A, %reduce_min3A_54, %reduce_min3A_26 : vector<1024xi1>, vector<1024xi32>
    %select_n3A_56 = arith.select %lt3A, %reduce_min3A_42, %reduce_min3A_18 : vector<1024xi1>, vector<1024xf32>
    %select_n3A_57 = arith.select %lt3A, %reduce_min3A_42, %convert_element_type3A_27 : vector<1024xi1>, vector<1024xf32>
    %convert_element_type3A_58 = arith.truncf %select_n3A_57 : vector<1024xf32> to vector<1024xbf16>
    %convert_element_type3A_59 = arith.extf %convert_element_type3A_58 : vector<1024xbf16> to vector<1024xf32>
    %get3A_60 = arith.constant 5472 : index
    %get3A_61 = arith.constant 0 : index
    %get3A_62 = vector.load %arg5[%get3A_60, %get3A_61] : memref<8192x256xf32, #tpu.memory_space<vmem>>, vector<2720x256xf32>
    %get3A_63 = arith.constant 5472 : index
    %get3A_64 = arith.constant 0 : index
    %get3A_65 = vector.load %arg4[%get3A_63, %get3A_64] : memref<8192x1xf32, #tpu.memory_space<vmem>>, vector<2720x1xf32>
    %dot_general3A_66 = arith.constant dense<0.000000e+00> : vector<2720x1024xf32>
    %dot_general3A_67 = tpu.matmul %get3A_62, %get3A_3, %dot_general3A_66 {dimension_numbers = #tpu.dot_dimension_numbers<[1], [0], [0], [1], [0, 0, 1, 1], [], []>, transpose_lhs_hint = false} : vector<2720x256xf32>, vector<256x1024xf32>, vector<2720x1024xf32> -> vector<2720x1024xf32>
    %broadcast_in_dim3A_68 = vector.shape_cast %get3A_8 : vector<1024xf32> to vector<1x1024xf32>
    %add3A_69 = vector.broadcast %broadcast_in_dim3A_68 : vector<1x1024xf32> to vector<2720x1024xf32>
    %add3A_70 = vector.broadcast %get3A_65 : vector<2720x1xf32> to vector<2720x1024xf32>
    %add3A_71 = arith.addf %add3A_69, %add3A_70 : vector<2720x1024xf32>
    %sub3A_72 = arith.subf %add3A_71, %dot_general3A_67 : vector<2720x1024xf32>
    %reduce_min3A_73 = arith.constant dense<0x7F800000> : vector<1024xf32>
    %reduce_min3A_74 = vector.multi_reduction <minimumf>, %sub3A_72, %reduce_min3A_73 [0] : vector<2720x1024xf32> to vector<1024xf32>
    %iota3A_75 = tpu.iota {dimensions = array<i32: 0>} : vector<2720x1024xi32>
    %add3A_76 = arith.constant 5472 : i32
    %add3A_77 = vector.broadcast %add3A_76 : i32 to vector<2720x1024xi32>
    %add3A_78 = arith.addi %iota3A_75, %add3A_77 : vector<2720x1024xi32>
    %broadcast_in_dim3A_79 = vector.shape_cast %reduce_min3A_74 : vector<1024xf32> to vector<1x1024xf32>
    %eq3A_80 = vector.broadcast %broadcast_in_dim3A_79 : vector<1x1024xf32> to vector<2720x1024xf32>
    %eq3A_81 = arith.cmpf oeq, %sub3A_72, %eq3A_80 : vector<2720x1024xf32>
    %jit3A_82 = arith.constant 8192 : i32
    %broadcast_in_dim3A_83 = vector.broadcast %jit3A_82 : i32 to vector<2720x1024xi32>
    %select_n3A_84 = arith.select %eq3A_81, %add3A_78, %broadcast_in_dim3A_83 : vector<2720x1024xi1>, vector<2720x1024xi32>
    %reduce_min3A_85 = arith.constant dense<2147483647> : vector<1024xi32>
    %reduce_min3A_86 = vector.multi_reduction <minsi>, %select_n3A_84, %reduce_min3A_85 [0] : vector<2720x1024xi32> to vector<1024xi32>
    %lt3A_87 = arith.cmpf olt, %reduce_min3A_74, %convert_element_type3A_59 : vector<1024xf32>
    %select_n3A_88 = arith.select %lt3A_87, %reduce_min3A_86, %select_n3A_55 : vector<1024xi1>, vector<1024xi32>
    %select_n3A_89 = arith.select %lt3A_87, %reduce_min3A_74, %select_n3A_56 : vector<1024xi1>, vector<1024xf32>
    %mul3A = arith.constant 1024 : i32
    %mul3A_90 = arith.muli %arg1, %mul3A : i32
    %swap3A = arith.constant 0 : index
    %swap3A_91 = arith.constant 0 : index
    %swap3A_92 = arith.index_cast %mul3A_90 : i32 to index
    %swap3A_93 = vector.load %arg6[%swap3A, %swap3A_91, %swap3A_92] : memref<1x1x2048xi32, #tpu.memory_space<vmem>>, vector<1x1x1024xi32>
    %swap3A_94 = vector.shape_cast %swap3A_93 : vector<1x1x1024xi32> to vector<1024xi32>
    %swap3A_95 = vector.shape_cast %select_n3A_88 : vector<1024xi32> to vector<1x1x1024xi32>
    tpu.vector_store %arg6[%swap3A, %swap3A_91, %swap3A_92], %swap3A_95 {strides = array<i32>} : memref<1x1x2048xi32, #tpu.memory_space<vmem>>, vector<1x1x1024xi32>,
    %reduce_sum3A = vector.shape_cast %select_n3A_89 : vector<1024xf32> to vector<1x1024xf32>
    %reduce_sum3A_96 = arith.constant dense<0.000000e+00> : vector<1xf32>
    %reduce_sum3A_97 = vector.multi_reduction <add>, %reduce_sum3A, %reduce_sum3A_96 [1] : vector<1x1024xf32> to vector<1xf32>
    %reduce_sum3A_98 = vector.shape_cast %reduce_sum3A_97 : vector<1xf32> to vector<1x1xf32>
    %reduce_sum3A_99 = vector.extract %reduce_sum3A_98[0, 0] : f32 from vector<1x1xf32>
    %iota3A_100 = tpu.iota {dimensions = array<i32: 1>} : vector<1x128xi32>
    %iota3A_101 = vector.shape_cast %iota3A_100 : vector<1x128xi32> to vector<128xi32>
    %eq3A_102 = arith.constant 0 : i32
    %eq3A_103 = arith.cmpi eq, %arg1, %eq3A_102 : i32
    %broadcast_in_dim3A_104 = arith.constant 0.000000e+00 : f32
    %broadcast_in_dim3A_105 = vector.broadcast %broadcast_in_dim3A_104 : f32 to vector<128xf32>
    %get3A_106 = arith.constant 0 : index
    %get3A_107 = arith.constant 0 : index
    %get3A_108 = arith.constant 0 : index
    %get3A_109 = vector.load %arg7[%get3A_106, %get3A_107, %get3A_108] : memref<1x1x128xf32, #tpu.memory_space<vmem>>, vector<1x1x128xf32>
    %get3A_110 = vector.shape_cast %get3A_109 : vector<1x1x128xf32> to vector<128xf32>
    %select_n3A_111 = arith.select %eq3A_103, %broadcast_in_dim3A_105, %get3A_110 : vector<128xf32>
    %eq3A_112 = arith.constant 0 : i32
    %eq3A_113 = vector.broadcast %eq3A_112 : i32 to vector<128xi32>
    %eq3A_114 = arith.cmpi eq, %iota3A_101, %eq3A_113 : vector<128xi32>
    %jit3A_115 = arith.constant 0.000000e+00 : f32
    %broadcast_in_dim3A_116 = vector.broadcast %reduce_sum3A_99 : f32 to vector<128xf32>
    %broadcast_in_dim3A_117 = vector.broadcast %jit3A_115 : f32 to vector<128xf32>
    %select_n3A_118 = arith.select %eq3A_114, %broadcast_in_dim3A_116, %broadcast_in_dim3A_117 : vector<128xi1>, vector<128xf32>
    %add3A_119 = arith.addf %select_n3A_111, %select_n3A_118 : vector<128xf32>
    %swap3A_120 = arith.constant 0 : index
    %swap3A_121 = arith.constant 0 : index
    %swap3A_122 = arith.constant 0 : index
    %swap3A_123 = vector.load %arg7[%swap3A_120, %swap3A_121, %swap3A_122] : memref<1x1x128xf32, #tpu.memory_space<vmem>>, vector<1x1x128xf32>
    %swap3A_124 = vector.shape_cast %swap3A_123 : vector<1x1x128xf32> to vector<128xf32>
    %swap3A_125 = vector.shape_cast %add3A_119 : vector<128xf32> to vector<1x1x128xf32>
    tpu.vector_store %arg7[%swap3A_120, %swap3A_121, %swap3A_122], %swap3A_125 {strides = array<i32>} : memref<1x1x128xf32, #tpu.memory_space<vmem>>, vector<1x1x128xf32>,
    return
  }
  func.func @transform_0(%arg0: i32, %arg1: i32) -> (i32, i32, i32) {
    %c0_i32 = arith.constant 0 : i32
    %c0_i32_0 = arith.constant 0 : i32
    return %arg0, %c0_i32, %arg1 : i32, i32, i32
  }
  func.func @transform_1(%arg0: i32, %arg1: i32) -> (i32, i32, i32) {
    %c0_i32 = arith.constant 0 : i32
    %c0_i32_0 = arith.constant 0 : i32
    return %arg0, %c0_i32, %arg1 : i32, i32, i32
  }
  func.func @transform_2(%arg0: i32, %arg1: i32) -> (i32, i32) {
    %c0_i32 = arith.constant 0 : i32
    %c0_i32_0 = arith.constant 0 : i32
    %c0_i32_1 = arith.constant 0 : i32
    return %c0_i32, %c0_i32_0 : i32, i32
  }
  func.func @transform_3(%arg0: i32, %arg1: i32) -> (i32, i32) {
    %c0_i32 = arith.constant 0 : i32
    %c0_i32_0 = arith.constant 0 : i32
    %c0_i32_1 = arith.constant 0 : i32
    return %c0_i32, %c0_i32_0 : i32, i32
  }
  func.func @transform_4(%arg0: i32, %arg1: i32) -> (i32, i32, i32) {
    %c0_i32 = arith.constant 0 : i32
    %c0_i32_0 = arith.constant 0 : i32
    %c0_i32_1 = arith.constant 0 : i32
    return %arg0, %c0_i32, %c0_i32_0 : i32, i32, i32
  }
  func.func @transform_5(%arg0: i32, %arg1: i32) -> (i32, i32, i32) {
    %c0_i32 = arith.constant 0 : i32
    %c0_i32_0 = arith.constant 0 : i32
    %c0_i32_1 = arith.constant 0 : i32
    return %arg0, %c0_i32, %c0_i32_0 : i32, i32, i32
  }
}

</mosaic_0001>

<sc_bundles>
// kernel: kernel.4.cloned.1.call-start
scs
__scs_entry_jumppad:
0x0: {  	(pc) =	sbr.rel $0x88, $3  }
0x1: {  	(tag) =	ssettag $0x0;
	lr =	simm.s32 $0x1  }
0x2: {  	[smem:$0x3F9F] =	sst lr;
	_ =	strace $0xD0000000  }
0x3: {  	_ = 	snop  }
0x4: {  	_ = 	snop  }
0x5: {  	_ = 	snop  }
0x6: {  	_ = 	snop  }
0x7: {  	_ = 	snop  }
__scs_overlays_trampoline_lowered:
0x8: {  	[smem:$0x3FAE] =	sst s0  }
0x9: {  	[smem:$0x3FAF] =	sst s1  }
0xa: {  	[smem:$0x3FB0] =	sst s2  }
0xb: {  	[smem:$0x3FB1] =	sst s3  }
0xc: {  	[smem:$0x3FB2] =	sst s4  }
0xd: {  	[smem:$0x3FB3] =	sst s5  }
0xe: {  	[smem:$0x3FB4] =	sst s6  }
0xf: {  	[smem:$0x3FB5] =	sst s7  }
0x10: {  	[smem:$0x3FB6] =	sst s8  }
0x11: {  	[smem:$0x3FB7] =	sst s9;
	s0 =	simm.s32 @!p0 $0x0  }
0x12: {  	s1 =	sld [smem:$0x3F9D];
	s0 =	simm.s32 @p0 $0x1  }
0x13: {  	[smem:$0x3FB8] =	sst s0;
	s0 =	simm.s32 @!p1 $0x0  }
0x14: {  	s2 =	sld [smem:$0x3F9C];
	s0 =	simm.s32 @p1 $0x1  }
0x15: {  	[smem:$0x3FB9] =	sst s0;
	s0 =	simm.s32 @!p2 $0x0  }
0x16: {  	s3 =	sld [smem:$0x3FDB];
	s0 =	simm.s32 @p2 $0x1  }
0x17: {  	s4 =	simm.s32 $0x1BF5;
	[smem:$0x3FBB] =	sst s0  }
0x18: {  	s0 =	sld [smem:$0x3F9E];
	_ =	swait.ge [sflag:s4], $0x0  }
0x19: {  	s7 =	sld [smem:$0x3F9F]  }
0x1a: {  	s8 =	sadd.s32 $0xFFFFE003, lr  }
0x1b: {  	s9 =	sadd.s32 $0xFFFFFEF7, lr;
	s5 =	simm.s32 $0xFFFFFFFF;
	p2 =	slt.u32 s8, $0xFFFFF086  }
0x1c: {  	p1 =	slt.u32 s9, $0xF7A;
	s5 =	simm.s32 @!p2 $0x0  }
0x1d: {  	s5 =	simm.s32 @p1 $0x1;
	p0 =	seq.s32 s7, s2  }
0x1e: {  	s7 =	smul.u32 @!p0 $0xF7A, s2;
	p2 =	seq.s32 @!p0 s5, $0x0  }
0x1f: {  	s9 =	smul.u32 $0xF7A, s1;
	s8 =	simm.s32 @!p0 $0x1BF5;
	p2 =	por !p2, p0  }
0x20: {  	[sflag:s8] =	ssyncset.s32 @!p0 $0xFFFFF086;
	s6 =	sadd.s32 @!p0 s3, s7;
	s7 =	simm.s32 @!p0 $0x108  }
0x21: {  	s3 =	sadd.s32 s3, s9;
	s6 =	sadd.s32 @!p0 $0x88, s6;
	s7 =	simm.s32 @p2 $0x1082  }
0x22: {  	[simem:s7], [sflag:s8] =	dma.local @!p0 [hbm:s6], $0xF7A  }
0x23: {  	s9 =	sor.u32 $0xD0000000, s2;
	s6 =	simm.s32 $0x108;
	_ =	swait.ge @!p0 [sflag:s8], $0x0  }
0x24: {  	s3 =	sadd.s32 $0x88, s3;
	s6 =	simm.s32 @!p1 $0x1082;
	[sflag:s4] =	ssyncset.s32 $0xFFFFF086  }
0x25: {  	[simem:s6], [sflag:s4] =	dma.local [hbm:s3], $0xF7A  }
0x26: {  	[smem:$0x3F9F] =	sst s1;
	(tag) =	ssettag s2;
	_ =	strace s9  }
0x27: {  	s1 =	sld [smem:$0x3FAF]  }
0x28: {  	s2 =	sld [smem:$0x3FB0]  }
0x29: {  	s4 =	sld [smem:$0x3FB2]  }
0x2a: {  	p0 =	seq.s32 s5, $0x0;
	s5 =	sld [smem:$0x3FB3]  }
0x2b: {  	s6 =	sld [smem:$0x3FB4]  }
0x2c: {  	s7 =	sld [smem:$0x3FB5]  }
0x2d: {  	s3 =	simm.s32 $0x108;
	s8 =	sld [smem:$0x3FB6]  }
0x2e: {  	s3 =	simm.s32 @!p0 $0x1082;
	s9 =	sld [smem:$0x3FB7]  }
0x2f: {  	lr =	sadd.s32 s0, s3;
	s0 =	sld [smem:$0x3FAE]  }
0x30: {  	s3 =	sld [smem:$0x3FB1]  }
0x31: {  	[smem:$0x3FBA] =	sst s10  }
0x32: {  	s10 =	sld [smem:$0x3FB8];
	_ =	sdelay $0x3  }
0x33: {  	p0 =	seq.s32 s10, $0x1;
	s10 =	sld [smem:$0x3FBA];
	_ =	sdelay $0x3  }
0x34: {  	[smem:$0x3FBA] =	sst s10  }
0x35: {  	s10 =	sld [smem:$0x3FB9];
	_ =	sdelay $0x3  }
0x36: {  	p1 =	seq.s32 s10, $0x1;
	s10 =	sld [smem:$0x3FBA];
	_ =	sdelay $0x3  }
0x37: {  	[smem:$0x3FBA] =	sst s10  }
0x38: {  	s10 =	sld [smem:$0x3FBB]  }
0x39: {  	_ = 	snop;
	(pc) =	sbr.ind lr, $3  }
0x3a: {  	_ = 	snop  }
0x3b: {  	_ = 	snop  }
0x3c: {  	p2 =	seq.s32 s10, $0x1;
	s10 =	sld [smem:$0x3FBA]  }
0x3d: {  	_ =	shalt  }
0x3e: {  	_ =	shalt  }
0x3f: {  	_ =	shalt  }
0x40: {  	_ =	shalt  }
0x41: {  	_ =	shalt  }
0x42: {  	_ =	shalt  }
0x43: {  	_ =	shalt  }
0x44: {  	_ =	shalt  }
0x45: {  	_ =	shalt  }
0x46: {  	_ =	shalt  }
0x47: {  	_ =	shalt  }
0x48: {  	_ =	shalt  }
0x49: {  	_ =	shalt  }
0x4a: {  	_ =	shalt  }
0x4b: {  	_ =	shalt  }
0x4c: {  	_ =	shalt  }
0x4d: {  	_ =	shalt  }
0x4e: {  	_ =	shalt  }
0x4f: {  	_ =	shalt  }
0x50: {  	_ =	shalt  }
0x51: {  	_ =	shalt  }
0x52: {  	_ =	shalt  }
0x53: {  	_ =	shalt  }
0x54: {  	_ =	shalt  }
0x55: {  	_ =	shalt  }
0x56: {  	_ =	shalt  }
0x57: {  	_ =	shalt  }
0x58: {  	_ =	shalt  }
0x59: {  	_ =	shalt  }
0x5a: {  	_ =	shalt  }
0x5b: {  	_ =	shalt  }
0x5c: {  	_ =	shalt  }
0x5d: {  	_ =	shalt  }
0x5e: {  	_ =	shalt  }
0x5f: {  	_ =	shalt  }
0x60: {  	_ =	shalt  }
0x61: {  	_ =	shalt  }
0x62: {  	_ =	shalt  }
0x63: {  	_ =	shalt  }
0x64: {  	_ =	shalt  }
0x65: {  	_ =	shalt  }
0x66: {  	_ =	shalt  }
0x67: {  	_ =	shalt  }
0x68: {  	_ =	shalt  }
0x69: {  	_ =	shalt  }
0x6a: {  	_ =	shalt  }
0x6b: {  	_ =	shalt  }
0x6c: {  	_ =	shalt  }
0x6d: {  	_ =	shalt  }
0x6e: {  	_ =	shalt  }
0x6f: {  	_ =	shalt  }
0x70: {  	_ =	shalt  }
0x71: {  	_ =	shalt  }
0x72: {  	_ =	shalt  }
0x73: {  	_ =	shalt  }
0x74: {  	_ =	shalt  }
0x75: {  	_ =	shalt  }
0x76: {  	_ =	shalt  }
0x77: {  	_ =	shalt  }
0x78: {  	_ =	shalt  }
0x79: {  	_ =	shalt  }
0x7a: {  	_ =	shalt  }
0x7b: {  	_ =	shalt  }
0x7c: {  	_ =	shalt  }
0x7d: {  	_ =	shalt  }
0x7e: {  	_ =	shalt  }
0x7f: {  	_ =	shalt  }
0x80: {  	_ =	shalt  }
0x81: {  	_ =	shalt  }
0x82: {  	_ =	shalt  }
0x83: {  	_ =	shalt  }
0x84: {  	_ =	shalt  }
0x85: {  	_ =	shalt  }
0x86: {  	_ =	shalt  }
0x87: {  	_ =	shalt  }
.Lfunc_end0:
.L_simem_size_0:
called_computation.1_lowered:
.L_overlay_start_0:
0x88: {  	s2 =	sld [smem:$0x3FD9]  }
0x89: {  	s3 =	sld [smem:$0x3FFE];
	_ =	sdelay $0x1  }
0x8a: {  	s1 =	srdreg.scid  }
0x8b: {  	s0 =	sand.u32 $0x1, s1  }
0x8c: {  	s14 =	sshll.u32 s0, $0xA;
	s2 =	sadd.s32 s3, s2  }
0x8d: {  	s2 =	sadd.s32 s2, s14  }
0x8e: {  	[smem:$0x3FC6] =	sst s2  }
0x8f: {  	_ = 	snop  }
0x90: {  	s2 =	sld [smem:$0x3FD0];
	_ =	sdelay $0x2  }
0x91: {  	s4 =	simm.s32 $0xA;
	s5 =	simm.s32 $0x10;
	s15 =	sld [smem:$0x3FC8]  }
0x92: {  	[smem:s5], [sflag:s4] =	dma.local [hbm:s2], $0x1  }
0x93: {  	_ =	swait.eq [sflag:s4], $0x1  }
0x94: {  	[sflag:s4] =	ssyncset.done $0x0  }
0x95: {  	[sflag:s4] =	ssyncadd.s32 $0xFFFFFFFF  }
0x96: {  	s16 =	sld [smem:$0x11];
	(tm) =	ssettm $0x1  }
0x97: {  	s17 =	sld [smem:$0x3FFB];
	_ =	sdelay $0x3  }
0x98: {  	_ =	strace s17  }
0x99: {  	s4 =	sld [smem:$0x3FFC];
	_ =	sdelay $0x3  }
0x9a: {  	_ =	strace s4  }
0x9b: {  	s4 =	sld [smem:$0x3FFD];
	_ =	sdelay $0x3  }
0x9c: {  	_ =	strace s4  }
0x9d: {  	_ =	strace $0x8FFFFFFF  }
0x9e: {  	s18 =	sld [smem:$0x3FDB];
	_ =	sdelay $0x1  }
0x9f: {  	s19 =	simm.s32 $_scs_section_size  }
0xa0: {  	s6 =	simm.s32 $_size__tile_overlayer_lowered;
	s7 =	simm.s32 $_tile_overlayer_lowered  }
0xa1: {  	s22 =	simm.s32 $0x1BFF;
	s21 =	sshll.u32 s7, $0x1;
	s4 =	sadd.s32 s19, s18  }
0xa2: {  	s8 =	simm.s32 $0x0;
	s20 =	sshll.u32 s6, $0x1;
	s6 =	sadd.s32 s21, s4  }
0xa3: {  	[timem:s8], [sflag:s22] =	dma.local [hbm:s6], s20  }
0xa4: {  	_ =	swait.ge [sflag:s22], s20  }
0xa5: {  	s5 =	ssub.s32 $0x0, s20;
	[sflag:s22] =	ssyncset.done $0x0  }
0xa6: {  	[sflag:s22] =	ssyncadd.s32 s5;
	_ =	sdelay $0x1  }
0xa7: {  	s23 =	simm.s32 $0x1B8B  }
0xa8: {  	_ =	swait.ge [sflag:s23], $0x1  }
0xa9: {  	[sflag:s23] =	ssyncset.done $0x0  }
0xaa: {  	s25 =	simm.s32 $0x1B8E;
	s24 =	sld [smem:$0x3FFE];
	[sflag:s23] =	ssyncadd.s32 $0xFFFFFFFF  }
0xab: {  	s26 =	simm.s32 $execute0_lowered;
	[smem:$0x3FD2] =	sst s25  }
0xac: {  	s6 =	sshll.u32 s26, $0x1;
	_ =	strace $0x80000046;
	[dreg:$0x1] =	wrdreg $0xFFFFFFFF  }
0xad: {  	s28 =	simm.s32 $_size_execute0_lowered;
	s4 =	sadd.s32 s4, s6;
	[dreg:$0x0] =	wrdreg $0x0  }
0xae: {  	s6 =	sshll.u32 s28, $0x1;
	[dreg:$0x2] =	wrdreg s4  }
0xaf: {  	[dreg:$0x3] =	wrdreg s6  }
0xb0: {  	[dreg:$0x4] =	wrdreg $0xC0  }
0xb1: {  	_ =	task [dreg:s8], $0x5FFFF  }
0xb2: {  	[dreg:$0x1] =	wrdreg $0xFFFFFFFF  }
0xb3: {  	[dreg:$0x0] =	wrdreg $0x60  }
0xb4: {  	[dreg:$0x2] =	wrdreg s15  }
0xb5: {  	[dreg:$0x3] =	wrdreg s16  }
0xb6: {  	[dreg:$0x4] =	wrdreg s24  }
0xb7: {  	[dreg:$0x5] =	wrdreg $0x9  }
0xb8: {  	_ =	task.clear_ibuf [dreg:s8], $0x6FFFF;
	_ =	strace $0x90000046  }
0xb9: {  	s29 =	simm.s32 $0x9;
	_ =	strace $0x80000048  }
0xba: {  	_ =	swait.ge [sflag:s29], $0x1  }
0xbb: {  	[sflag:s29] =	ssyncadd.s32 $0xFFFFFFFF  }
0xbc: {  	_ =	strace $0x90000048  }
0xbd: {  	_ =	sfence  }
0xbe: {  	s30 =	sld [smem:$0x0];
	_ =	sdelay $0x2  }
0xbf: {  	s31 =	sshll.u32 s1, $0xD;
	s1 =	sshrl.u32 s1, $0x2  }
0xc0: {  	s3 =	sand.u32 $0x4000, s31;
	s1 =	sadd.s32 s1, s30  }
0xc1: {  	s0 =	sor.u32 s3, s0;
	s1 =	sshll.u32 s1, $0x11  }
0xc2: {  	s0 =	sor.u32 s1, s0  }
0xc3: {  	s0 =	sadd.s32 $0x8F2B, s0  }
0xc4: {  	[sflag:s0] =	ssyncadd.remote.s32 $0x1  }
0xc5: {  	_ =	sfence.sel $0xFFFF  }
0xc6: {  	[dreg:$0x0] =	wrdreg $0xFFFFFFFF;
	(pc) =	sbr.abs _section_cstart, $3  }
0xc7: {  	[dreg:$0x1] =	wrdreg $0xFFFFFFFF  }
0xc8: {  	_ =	task.clear_ibuf [dreg:s8], $0x2FFFF;
	_ =	strace $0x9FFFFFFF  }
0xc9: {  	(tm) =	ssettm $0x7FFFFFFF  }
tec
execute0_lowered:
.L_overlay_start_1:
0x0: {  	(tag) =	ssettag $0x1  }
0x1: {  	s0 =	srdreg.scid  }
0x2: {  	s3 =	stileid.u32;
	s0 =	sand.u32 $0x1, s0  }
0x3: {  	s1 =	rddreg [dreg:$0x0];
	s5 =	sshll.u32 s3, $0xB;
	s6 =	sshll.u32 s0, $0xA  }
0x4: {  	s2 =	rddreg [dreg:$0x1];
	s5 =	sor.u32 s6, s5  }
0x5: {  	s4 =	rddreg [dreg:$0x2];
	s3 =	simm.s32 $0x0;
	s6 =	sshrl.u32 s5, $0x3  }
0x6: {  	[smem:$0x7FF] =	sst s3;
	s5 =	sshll.u32 s5, $0x5;
	s2 =	sadd.s32 s2, s6  }
0x7: {  	_ =	strace $0x80000047;
	s5 =	sadd.s32 s4, s5;
	[dreg:$0x4] =	wrdreg s2  }
0x8: {  	s28 =	simm.s32 $0x400;
	s22 =	sadd.s32 $0x1000, s5;
	[dreg:$0xc] =	wrdreg s5  }
0x9: {  	s14 =	simm.s32 $0x2;
	s23 =	sadd.s32 $0x2000, s5;
	[dreg:$0x5] =	wrdreg s22  }
0xa: {  	s0 =	ssub.s32 $0x2, s0;
	s24 =	sadd.s32 $0x3000, s5;
	[dreg:$0x6] =	wrdreg s23  }
0xb: {  	s30 =	sshrl.u32 s0, $0x1;
	s25 =	sadd.s32 $0x4000, s5;
	[dreg:$0x7] =	wrdreg s24  }
0xc: {  	s0 =	ssub.s32 s0, s30;
	s26 =	sadd.s32 $0x5000, s5;
	[dreg:$0x8] =	wrdreg s25  }
0xd: {  	v2 =	vlaneseq.u32;
	s6 =	simm.s32 $0x3;
	s29 =	sadd.s32 $0x6000, s5;
	[dreg:$0x9] =	wrdreg s26  }
0xe: {  	vm0 =	vmmov $0xffff;
	v1 =	vshrl.u32 v2, $0x3;
	s31 =	sadd.s32 $0x7000, s5;
	s5 =	smax.u32 s0, $0x1;
	[dreg:$0xa] =	wrdreg s29  }
0xf: {  	v0 =	vand.u32 $0x7, v2;
	v2 =	vor.u32 $0x8, v2;
	v1 =	vmul.u32 $0x8, v1;
	[dreg:$0xb] =	wrdreg s31;
	s23 =	simm.s32 $0x1;
	s24 =	simm.s32 $0x8400  }
.LBB2_1:
0x10: {  	s15 =	rddreg [dreg:$0x4]  }
0x11: {  	[tilespmem:s3], [sflag:$0x3] =	stream.linear.gather [hbm4b:s15+s3], $0x400, $0x38;
	[tilespmem:$0x10400] =	vst v63  }
0x12: {  	_ =	swait.ge [sflag:s6], $0x400  }
0x13: {  	[sflag:s6] =	ssyncset.done $0x0  }
0x14: {  	[sflag:s6] =	ssyncadd.s32 $0xFFFFFC00  }
0x15: {  	v3 =	vld [tilespmem:$0x0];
	_ =	sdelay $0x4  }
0x16: {  	v4 =	vshll.u32 v3, $0x1  }
0x17: {  	v3 =	vand.u32 $0x7, v3;
	v4 =	vand.u32 $0xFFFFFFF0, v4  }
0x18: {  	v3 =	vor.u32 v3, v4  }
0x19: {  	v4 =	vperm.xlane v3, v0;
	_ =	sdelay $0x1  }
0x1a: {  	v3 =	vperm.xlane v3, v2;
	v4 =	vadd.s32 v1, v4;
	_ =	sdelay $0x1  }
0x1b: {  	v3 =	vadd.s32 v1, v3;
	_ =	sdelay $0x2  }
0x1c: {  	[tilespmem:s28], [sflag:$0x1] =	stream.indirect_vreg.gather [hbm4b:s1+s3], $0x80, v4, vm0, $0xb8;
	[tilespmem:$0x10400] =	vst v63  }
0x1d: {  	s0 =	simm.s32 $0xC00  }
0x1e: {  	[tilespmem:s0], [sflag:$0x1] =	stream.indirect_vreg.gather [hbm4b:s1+s3], $0x80, v3, vm0, $0xb8;
	[tilespmem:$0x10400] =	vst v63  }
0x1f: {  	v3 =	vld [tilespmem:$0x10];
	_ =	sdelay $0x4  }
0x20: {  	v57 =	vshll.u32 v3, $0x1  }
0x21: {  	v3 =	vand.u32 $0x7, v3;
	v4 =	vand.u32 $0xFFFFFFF0, v57  }
0x22: {  	v3 =	vor.u32 v3, v4  }
0x23: {  	v4 =	vperm.xlane v3, v0;
	_ =	sdelay $0x1  }
0x24: {  	v3 =	vperm.xlane v3, v2;
	v4 =	vadd.s32 v1, v4;
	_ =	sdelay $0x1  }
0x25: {  	v3 =	vadd.s32 v1, v3;
	_ =	sdelay $0x1  }
0x26: {  	s20 =	simm.s32 $0x1400  }
0x27: {  	[tilespmem:s20], [sflag:$0x1] =	stream.indirect_vreg.gather [hbm4b:s1+s3], $0x80, v4, vm0, $0xb8;
	[tilespmem:$0x10400] =	vst v63  }
0x28: {  	s21 =	simm.s32 $0x1C00  }
0x29: {  	[tilespmem:s21], [sflag:$0x1] =	stream.indirect_vreg.gather [hbm4b:s1+s3], $0x80, v3, vm0, $0xb8;
	[tilespmem:$0x10400] =	vst v63  }
0x2a: {  	v3 =	vld [tilespmem:$0x20];
	_ =	sdelay $0x4  }
0x2b: {  	v58 =	vshll.u32 v3, $0x1  }
0x2c: {  	v3 =	vand.u32 $0x7, v3;
	v4 =	vand.u32 $0xFFFFFFF0, v58  }
0x2d: {  	v3 =	vor.u32 v3, v4  }
0x2e: {  	v4 =	vperm.xlane v3, v0;
	_ =	sdelay $0x1  }
0x2f: {  	v3 =	vperm.xlane v3, v2;
	v4 =	vadd.s32 v1, v4;
	_ =	sdelay $0x1  }
0x30: {  	v3 =	vadd.s32 v1, v3;
	_ =	sdelay $0x1  }
0x31: {  	s22 =	simm.s32 $0x2400  }
0x32: {  	[tilespmem:s22], [sflag:$0x1] =	stream.indirect_vreg.gather [hbm4b:s1+s3], $0x80, v4, vm0, $0xb8;
	[tilespmem:$0x10400] =	vst v63  }
0x33: {  	s25 =	simm.s32 $0x2C00  }
0x34: {  	[tilespmem:s25], [sflag:$0x1] =	stream.indirect_vreg.gather [hbm4b:s1+s3], $0x80, v3, vm0, $0xb8;
	[tilespmem:$0x10400] =	vst v63  }
0x35: {  	v3 =	vld [tilespmem:$0x30];
	_ =	sdelay $0x4  }
0x36: {  	v59 =	vshll.u32 v3, $0x1  }
0x37: {  	v3 =	vand.u32 $0x7, v3;
	v4 =	vand.u32 $0xFFFFFFF0, v59  }
0x38: {  	v3 =	vor.u32 v3, v4  }
0x39: {  	v4 =	vperm.xlane v3, v0;
	_ =	sdelay $0x1  }
0x3a: {  	v3 =	vperm.xlane v3, v2;
	v4 =	vadd.s32 v1, v4;
	_ =	sdelay $0x1  }
0x3b: {  	v3 =	vadd.s32 v1, v3;
	_ =	sdelay $0x1  }
0x3c: {  	s26 =	simm.s32 $0x3400  }
0x3d: {  	[tilespmem:s26], [sflag:$0x1] =	stream.indirect_vreg.gather [hbm4b:s1+s3], $0x80, v4, vm0, $0xb8;
	[tilespmem:$0x10400] =	vst v63  }
0x3e: {  	s29 =	simm.s32 $0x3C00  }
0x3f: {  	[tilespmem:s29], [sflag:$0x1] =	stream.indirect_vreg.gather [hbm4b:s1+s3], $0x80, v3, vm0, $0xb8;
	[tilespmem:$0x10400] =	vst v63  }
0x40: {  	v3 =	vld [tilespmem:$0x40];
	_ =	sdelay $0x4  }
0x41: {  	v60 =	vshll.u32 v3, $0x1  }
0x42: {  	v3 =	vand.u32 $0x7, v3;
	v4 =	vand.u32 $0xFFFFFFF0, v60  }
0x43: {  	v3 =	vor.u32 v3, v4  }
0x44: {  	v4 =	vperm.xlane v3, v0;
	_ =	sdelay $0x1  }
0x45: {  	v3 =	vperm.xlane v3, v2;
	v4 =	vadd.s32 v1, v4;
	_ =	sdelay $0x1  }
0x46: {  	v3 =	vadd.s32 v1, v3;
	_ =	sdelay $0x1  }
0x47: {  	s30 =	simm.s32 $0x4400  }
0x48: {  	[tilespmem:s30], [sflag:$0x1] =	stream.indirect_vreg.gather [hbm4b:s1+s3], $0x80, v4, vm0, $0xb8;
	[tilespmem:$0x10400] =	vst v63  }
0x49: {  	s31 =	simm.s32 $0x4C00  }
0x4a: {  	[tilespmem:s31], [sflag:$0x1] =	stream.indirect_vreg.gather [hbm4b:s1+s3], $0x80, v3, vm0, $0xb8;
	[tilespmem:$0x10400] =	vst v63  }
0x4b: {  	v3 =	vld [tilespmem:$0x50];
	_ =	sdelay $0x4  }
0x4c: {  	v61 =	vshll.u32 v3, $0x1  }
0x4d: {  	v3 =	vand.u32 $0x7, v3;
	v4 =	vand.u32 $0xFFFFFFF0, v61  }
0x4e: {  	v3 =	vor.u32 v3, v4  }
0x4f: {  	v4 =	vperm.xlane v3, v0;
	_ =	sdelay $0x1  }
0x50: {  	v3 =	vperm.xlane v3, v2;
	v4 =	vadd.s32 v1, v4;
	_ =	sdelay $0x1  }
0x51: {  	v3 =	vadd.s32 v1, v3;
	_ =	sdelay $0x1  }
0x52: {  	s2 =	simm.s32 $0x5400  }
0x53: {  	[tilespmem:s2], [sflag:$0x1] =	stream.indirect_vreg.gather [hbm4b:s1+s3], $0x80, v4, vm0, $0xb8;
	[tilespmem:$0x10400] =	vst v63  }
0x54: {  	s4 =	simm.s32 $0x5C00  }
0x55: {  	[tilespmem:s4], [sflag:$0x1] =	stream.indirect_vreg.gather [hbm4b:s1+s3], $0x80, v3, vm0, $0xb8;
	[tilespmem:$0x10400] =	vst v63  }
0x56: {  	v3 =	vld [tilespmem:$0x60];
	_ =	sdelay $0x4  }
0x57: {  	v62 =	vshll.u32 v3, $0x1  }
0x58: {  	v3 =	vand.u32 $0x7, v3;
	v4 =	vand.u32 $0xFFFFFFF0, v62  }
0x59: {  	v3 =	vor.u32 v3, v4  }
0x5a: {  	v4 =	vperm.xlane v3, v0;
	_ =	sdelay $0x1  }
0x5b: {  	v3 =	vperm.xlane v3, v2;
	v4 =	vadd.s32 v1, v4;
	_ =	sdelay $0x1  }
0x5c: {  	v3 =	vadd.s32 v1, v3;
	_ =	sdelay $0x1  }
0x5d: {  	s7 =	simm.s32 $0x6400  }
0x5e: {  	[tilespmem:s7], [sflag:$0x1] =	stream.indirect_vreg.gather [hbm4b:s1+s3], $0x80, v4, vm0, $0xb8;
	[tilespmem:$0x10400] =	vst v63  }
0x5f: {  	s8 =	simm.s32 $0x6C00  }
0x60: {  	[tilespmem:s8], [sflag:$0x1] =	stream.indirect_vreg.gather [hbm4b:s1+s3], $0x80, v3, vm0, $0xb8;
	[tilespmem:$0x10400] =	vst v63  }
0x61: {  	v3 =	vld [tilespmem:$0x70];
	_ =	sdelay $0x4  }
0x62: {  	v63 =	vshll.u32 v3, $0x1  }
0x63: {  	v3 =	vand.u32 $0x7, v3;
	v4 =	vand.u32 $0xFFFFFFF0, v63  }
0x64: {  	v3 =	vor.u32 v3, v4  }
0x65: {  	v4 =	vperm.xlane v3, v0;
	_ =	sdelay $0x1  }
0x66: {  	v3 =	vperm.xlane v3, v2;
	v4 =	vadd.s32 v1, v4;
	_ =	sdelay $0x1  }
0x67: {  	v3 =	vadd.s32 v1, v3;
	_ =	sdelay $0x1  }
0x68: {  	s9 =	simm.s32 $0x7400  }
0x69: {  	[tilespmem:s9], [sflag:$0x1] =	stream.indirect_vreg.gather [hbm4b:s1+s3], $0x80, v4, vm0, $0xb8;
	[tilespmem:$0x10400] =	vst v63  }
0x6a: {  	s10 =	simm.s32 $0x7C00  }
0x6b: {  	[tilespmem:s10], [sflag:$0x1] =	stream.indirect_vreg.gather [hbm4b:s1+s3], $0x80, v3, vm0, $0xb8;
	[tilespmem:$0x10400] =	vst v63  }
0x6c: {  	_ =	swait.ge [sflag:s23], $0x8000  }
0x6d: {  	[sflag:s23] =	ssyncset.done $0x0  }
0x6e: {  	[sflag:s23] =	ssyncadd.s32 $0xFFFF8000  }
0x6f: {  	v3 =	vld [tilespmem:$0x80];
	_ =	sdelay $0x4  }
0x70: {  	v8 =	vshll.u32 v3, $0x1  }
0x71: {  	v3 =	vand.u32 $0x7, v3;
	v4 =	vand.u32 $0xFFFFFFF0, v8  }
0x72: {  	v3 =	vor.u32 v3, v4  }
0x73: {  	v4 =	vperm.xlane v3, v0;
	_ =	sdelay $0x1  }
0x74: {  	v3 =	vperm.xlane v3, v2;
	v4 =	vadd.s32 v1, v4;
	_ =	sdelay $0x1  }
0x75: {  	v3 =	vadd.s32 v1, v3;
	_ =	sdelay $0x2  }
0x76: {  	[tilespmem:s24], [sflag:$0x2] =	stream.indirect_vreg.gather [hbm4b:s1+s3], $0x80, v4, vm0, $0xb8;
	[tilespmem:$0x10400] =	vst v63  }
0x77: {  	s12 =	simm.s32 $0x8C00  }
0x78: {  	[tilespmem:s12], [sflag:$0x2] =	stream.indirect_vreg.gather [hbm4b:s1+s3], $0x80, v3, vm0, $0xb8;
	[tilespmem:$0x10400] =	vst v63  }
0x79: {  	v3 =	vld [tilespmem:$0x90];
	_ =	sdelay $0x4  }
0x7a: {  	v9 =	vshll.u32 v3, $0x1  }
0x7b: {  	v3 =	vand.u32 $0x7, v3;
	v4 =	vand.u32 $0xFFFFFFF0, v9  }
0x7c: {  	v3 =	vor.u32 v3, v4  }
0x7d: {  	v4 =	vperm.xlane v3, v0;
	_ =	sdelay $0x1  }
0x7e: {  	v3 =	vperm.xlane v3, v2;
	v4 =	vadd.s32 v1, v4;
	_ =	sdelay $0x1  }
0x7f: {  	v3 =	vadd.s32 v1, v3;
	_ =	sdelay $0x1  }
0x80: {  	s13 =	simm.s32 $0x9400  }
0x81: {  	[tilespmem:s13], [sflag:$0x2] =	stream.indirect_vreg.gather [hbm4b:s1+s3], $0x80, v4, vm0, $0xb8;
	[tilespmem:$0x10400] =	vst v63  }
0x82: {  	s15 =	simm.s32 $0x9C00  }
0x83: {  	[tilespmem:s15], [sflag:$0x2] =	stream.indirect_vreg.gather [hbm4b:s1+s3], $0x80, v3, vm0, $0xb8;
	[tilespmem:$0x10400] =	vst v63  }
0x84: {  	v3 =	vld [tilespmem:$0xA0];
	_ =	sdelay $0x4  }
0x85: {  	v10 =	vshll.u32 v3, $0x1  }
0x86: {  	v3 =	vand.u32 $0x7, v3;
	v4 =	vand.u32 $0xFFFFFFF0, v10  }
0x87: {  	v3 =	vor.u32 v3, v4  }
0x88: {  	v4 =	vperm.xlane v3, v0;
	_ =	sdelay $0x1  }
0x89: {  	v3 =	vperm.xlane v3, v2;
	v4 =	vadd.s32 v1, v4;
	_ =	sdelay $0x1  }
0x8a: {  	v3 =	vadd.s32 v1, v3;
	_ =	sdelay $0x1  }
0x8b: {  	s16 =	simm.s32 $0xA400  }
0x8c: {  	[tilespmem:s16], [sflag:$0x2] =	stream.indirect_vreg.gather [hbm4b:s1+s3], $0x80, v4, vm0, $0xb8;
	[tilespmem:$0x10400] =	vst v63  }
0x8d: {  	s17 =	simm.s32 $0xAC00  }
0x8e: {  	[tilespmem:s17], [sflag:$0x2] =	stream.indirect_vreg.gather [hbm4b:s1+s3], $0x80, v3, vm0, $0xb8;
	[tilespmem:$0x10400] =	vst v63  }
0x8f: {  	v3 =	vld [tilespmem:$0xB0];
	_ =	sdelay $0x4  }
0x90: {  	v11 =	vshll.u32 v3, $0x1  }
0x91: {  	v3 =	vand.u32 $0x7, v3;
	v4 =	vand.u32 $0xFFFFFFF0, v11  }
0x92: {  	v3 =	vor.u32 v3, v4  }
0x93: {  	v4 =	vperm.xlane v3, v0;
	_ =	sdelay $0x1  }
0x94: {  	v3 =	vperm.xlane v3, v2;
	v4 =	vadd.s32 v1, v4;
	_ =	sdelay $0x1  }
0x95: {  	v3 =	vadd.s32 v1, v3;
	_ =	sdelay $0x1  }
0x96: {  	s18 =	simm.s32 $0xB400  }
0x97: {  	[tilespmem:s18], [sflag:$0x2] =	stream.indirect_vreg.gather [hbm4b:s1+s3], $0x80, v4, vm0, $0xb8;
	[tilespmem:$0x10400] =	vst v63  }
0x98: {  	s19 =	simm.s32 $0xBC00  }
0x99: {  	[tilespmem:s19], [sflag:$0x2] =	stream.indirect_vreg.gather [hbm4b:s1+s3], $0x80, v3, vm0, $0xb8;
	[tilespmem:$0x10400] =	vst v63  }
0x9a: {  	v3 =	vld [tilespmem:$0xC0];
	_ =	sdelay $0x4  }
0x9b: {  	v12 =	vshll.u32 v3, $0x1  }
0x9c: {  	v3 =	vand.u32 $0x7, v3;
	v4 =	vand.u32 $0xFFFFFFF0, v12  }
0x9d: {  	v3 =	vor.u32 v3, v4  }
0x9e: {  	v4 =	vperm.xlane v3, v0;
	_ =	sdelay $0x1  }
0x9f: {  	v3 =	vperm.xlane v3, v2;
	v4 =	vadd.s32 v1, v4;
	_ =	sdelay $0x1  }
0xa0: {  	v3 =	vadd.s32 v1, v3;
	_ =	sdelay $0x1  }
0xa1: {  	s20 =	simm.s32 $0xC400  }
0xa2: {  	[tilespmem:s20], [sflag:$0x2] =	stream.indirect_vreg.gather [hbm4b:s1+s3], $0x80, v4, vm0, $0xb8;
	[tilespmem:$0x10400] =	vst v63  }
0xa3: {  	s21 =	simm.s32 $0xCC00  }
0xa4: {  	[tilespmem:s21], [sflag:$0x2] =	stream.indirect_vreg.gather [hbm4b:s1+s3], $0x80, v3, vm0, $0xb8;
	[tilespmem:$0x10400] =	vst v63  }
0xa5: {  	v3 =	vld [tilespmem:$0xD0];
	_ =	sdelay $0x4  }
0xa6: {  	v13 =	vshll.u32 v3, $0x1  }
0xa7: {  	v3 =	vand.u32 $0x7, v3;
	v4 =	vand.u32 $0xFFFFFFF0, v13  }
0xa8: {  	v3 =	vor.u32 v3, v4  }
0xa9: {  	v4 =	vperm.xlane v3, v0;
	_ =	sdelay $0x1  }
0xaa: {  	v3 =	vperm.xlane v3, v2;
	v4 =	vadd.s32 v1, v4;
	_ =	sdelay $0x1  }
0xab: {  	v3 =	vadd.s32 v1, v3;
	_ =	sdelay $0x1  }
0xac: {  	s22 =	simm.s32 $0xD400  }
0xad: {  	[tilespmem:s22], [sflag:$0x2] =	stream.indirect_vreg.gather [hbm4b:s1+s3], $0x80, v4, vm0, $0xb8;
	[tilespmem:$0x10400] =	vst v63  }
0xae: {  	s25 =	simm.s32 $0xDC00  }
0xaf: {  	[tilespmem:s25], [sflag:$0x2] =	stream.indirect_vreg.gather [hbm4b:s1+s3], $0x80, v3, vm0, $0xb8;
	[tilespmem:$0x10400] =	vst v63  }
0xb0: {  	v3 =	vld [tilespmem:$0xE0];
	_ =	sdelay $0x4  }
0xb1: {  	v14 =	vshll.u32 v3, $0x1  }
0xb2: {  	v3 =	vand.u32 $0x7, v3;
	v4 =	vand.u32 $0xFFFFFFF0, v14  }
0xb3: {  	v3 =	vor.u32 v3, v4  }
0xb4: {  	v4 =	vperm.xlane v3, v0;
	_ =	sdelay $0x1  }
0xb5: {  	v3 =	vperm.xlane v3, v2;
	v4 =	vadd.s32 v1, v4;
	_ =	sdelay $0x1  }
0xb6: {  	v3 =	vadd.s32 v1, v3;
	_ =	sdelay $0x1  }
0xb7: {  	s26 =	simm.s32 $0xE400  }
0xb8: {  	[tilespmem:s26], [sflag:$0x2] =	stream.indirect_vreg.gather [hbm4b:s1+s3], $0x80, v4, vm0, $0xb8;
	[tilespmem:$0x10400] =	vst v63  }
0xb9: {  	s29 =	simm.s32 $0xEC00  }
0xba: {  	[tilespmem:s29], [sflag:$0x2] =	stream.indirect_vreg.gather [hbm4b:s1+s3], $0x80, v3, vm0, $0xb8;
	[tilespmem:$0x10400] =	vst v63  }
0xbb: {  	v3 =	vld [tilespmem:$0xF0];
	_ =	sdelay $0x4  }
0xbc: {  	v15 =	vshll.u32 v3, $0x1  }
0xbd: {  	v3 =	vand.u32 $0x7, v3;
	v4 =	vand.u32 $0xFFFFFFF0, v15  }
0xbe: {  	v3 =	vor.u32 v3, v4  }
0xbf: {  	v4 =	vperm.xlane v3, v0;
	_ =	sdelay $0x1  }
0xc0: {  	v3 =	vperm.xlane v3, v2;
	v4 =	vadd.s32 v1, v4;
	_ =	sdelay $0x1  }
0xc1: {  	v3 =	vadd.s32 v1, v3;
	_ =	sdelay $0x1  }
0xc2: {  	s30 =	simm.s32 $0xF400  }
0xc3: {  	[tilespmem:s30], [sflag:$0x2] =	stream.indirect_vreg.gather [hbm4b:s1+s3], $0x80, v4, vm0, $0xb8;
	[tilespmem:$0x10400] =	vst v63  }
0xc4: {  	s31 =	simm.s32 $0xFC00  }
0xc5: {  	[tilespmem:s31], [sflag:$0x2] =	stream.indirect_vreg.gather [hbm4b:s1+s3], $0x80, v3, vm0, $0xb8;
	[tilespmem:$0x10400] =	vst v63  }
0xc6: {  	s0 =	rddreg [dreg:$0xc]  }
0xc7: {  	[hbm4b:s0+s3] =	stream.linear.scatter [tilespmem:s28], [sflag:$0x3], $0x8000, $0x38;
	[tilespmem:$0x10400] =	vst v63  }
0xc8: {  	_ =	swait.ge [sflag:s6], $0x8000  }
0xc9: {  	[sflag:s6] =	ssyncset.done $0x0  }
0xca: {  	[sflag:s6] =	ssyncadd.s32 $0xFFFF8000  }
0xcb: {  	_ =	swait.ge [sflag:s14], $0x8000  }
0xcc: {  	[sflag:s14] =	ssyncset.done $0x0  }
0xcd: {  	[sflag:s14] =	ssyncadd.s32 $0xFFFF8000  }
0xce: {  	v3 =	vld [tilespmem:$0x100];
	_ =	sdelay $0x4  }
0xcf: {  	v16 =	vshll.u32 v3, $0x1  }
0xd0: {  	v3 =	vand.u32 $0x7, v3;
	v4 =	vand.u32 $0xFFFFFFF0, v16  }
0xd1: {  	v3 =	vor.u32 v3, v4  }
0xd2: {  	v4 =	vperm.xlane v3, v0;
	_ =	sdelay $0x1  }
0xd3: {  	v3 =	vperm.xlane v3, v2;
	v4 =	vadd.s32 v1, v4;
	_ =	sdelay $0x1  }
0xd4: {  	v3 =	vadd.s32 v1, v3;
	_ =	sdelay $0x2  }
0xd5: {  	[tilespmem:s28], [sflag:$0x1] =	stream.indirect_vreg.gather [hbm4b:s1+s3], $0x80, v4, vm0, $0xb8;
	[tilespmem:$0x10400] =	vst v63  }
0xd6: {  	s12 =	simm.s32 $0xC00  }
0xd7: {  	[tilespmem:s12], [sflag:$0x1] =	stream.indirect_vreg.gather [hbm4b:s1+s3], $0x80, v3, vm0, $0xb8;
	[tilespmem:$0x10400] =	vst v63  }
0xd8: {  	v3 =	vld [tilespmem:$0x110];
	_ =	sdelay $0x4  }
0xd9: {  	v17 =	vshll.u32 v3, $0x1  }
0xda: {  	v3 =	vand.u32 $0x7, v3;
	v4 =	vand.u32 $0xFFFFFFF0, v17  }
0xdb: {  	v3 =	vor.u32 v3, v4  }
0xdc: {  	v4 =	vperm.xlane v3, v0;
	_ =	sdelay $0x1  }
0xdd: {  	v3 =	vperm.xlane v3, v2;
	v4 =	vadd.s32 v1, v4;
	_ =	sdelay $0x1  }
0xde: {  	v3 =	vadd.s32 v1, v3;
	_ =	sdelay $0x1  }
0xdf: {  	s13 =	simm.s32 $0x1400  }
0xe0: {  	[tilespmem:s13], [sflag:$0x1] =	stream.indirect_vreg.gather [hbm4b:s1+s3], $0x80, v4, vm0, $0xb8;
	[tilespmem:$0x10400] =	vst v63  }
0xe1: {  	s16 =	simm.s32 $0x1C00  }
0xe2: {  	[tilespmem:s16], [sflag:$0x1] =	stream.indirect_vreg.gather [hbm4b:s1+s3], $0x80, v3, vm0, $0xb8;
	[tilespmem:$0x10400] =	vst v63  }
0xe3: {  	v3 =	vld [tilespmem:$0x120];
	_ =	sdelay $0x4  }
0xe4: {  	v18 =	vshll.u32 v3, $0x1  }
0xe5: {  	v3 =	vand.u32 $0x7, v3;
	v4 =	vand.u32 $0xFFFFFFF0, v18  }
0xe6: {  	v3 =	vor.u32 v3, v4  }
0xe7: {  	v4 =	vperm.xlane v3, v0;
	_ =	sdelay $0x1  }
0xe8: {  	v3 =	vperm.xlane v3, v2;
	v4 =	vadd.s32 v1, v4;
	_ =	sdelay $0x1  }
0xe9: {  	v3 =	vadd.s32 v1, v3;
	_ =	sdelay $0x1  }
0xea: {  	s17 =	simm.s32 $0x2400  }
0xeb: {  	[tilespmem:s17], [sflag:$0x1] =	stream.indirect_vreg.gather [hbm4b:s1+s3], $0x80, v4, vm0, $0xb8;
	[tilespmem:$0x10400] =	vst v63  }
0xec: {  	s18 =	simm.s32 $0x2C00  }
0xed: {  	[tilespmem:s18], [sflag:$0x1] =	stream.indirect_vreg.gather [hbm4b:s1+s3], $0x80, v3, vm0, $0xb8;
	[tilespmem:$0x10400] =	vst v63  }
0xee: {  	v3 =	vld [tilespmem:$0x130];
	_ =	sdelay $0x4  }
0xef: {  	v19 =	vshll.u32 v3, $0x1  }
0xf0: {  	v3 =	vand.u32 $0x7, v3;
	v4 =	vand.u32 $0xFFFFFFF0, v19  }
0xf1: {  	v3 =	vor.u32 v3, v4  }
0xf2: {  	v4 =	vperm.xlane v3, v0;
	_ =	sdelay $0x1  }
0xf3: {  	v3 =	vperm.xlane v3, v2;
	v4 =	vadd.s32 v1, v4;
	_ =	sdelay $0x1  }
0xf4: {  	v3 =	vadd.s32 v1, v3;
	_ =	sdelay $0x1  }
0xf5: {  	s19 =	simm.s32 $0x3400  }
0xf6: {  	[tilespmem:s19], [sflag:$0x1] =	stream.indirect_vreg.gather [hbm4b:s1+s3], $0x80, v4, vm0, $0xb8;
	[tilespmem:$0x10400] =	vst v63  }
0xf7: {  	s20 =	simm.s32 $0x3C00  }
0xf8: {  	[tilespmem:s20], [sflag:$0x1] =	stream.indirect_vreg.gather [hbm4b:s1+s3], $0x80, v3, vm0, $0xb8;
	[tilespmem:$0x10400] =	vst v63  }
0xf9: {  	v3 =	vld [tilespmem:$0x140];
	_ =	sdelay $0x4  }
0xfa: {  	v20 =	vshll.u32 v3, $0x1  }
0xfb: {  	v3 =	vand.u32 $0x7, v3;
	v4 =	vand.u32 $0xFFFFFFF0, v20  }
0xfc: {  	v3 =	vor.u32 v3, v4  }
0xfd: {  	v4 =	vperm.xlane v3, v0;
	_ =	sdelay $0x1  }
0xfe: {  	v3 =	vperm.xlane v3, v2;
	v4 =	vadd.s32 v1, v4;
	_ =	sdelay $0x1  }
0xff: {  	v3 =	vadd.s32 v1, v3;
	_ =	sdelay $0x1  }
0x100: {  	s21 =	simm.s32 $0x4400  }
0x101: {  	[tilespmem:s21], [sflag:$0x1] =	stream.indirect_vreg.gather [hbm4b:s1+s3], $0x80, v4, vm0, $0xb8;
	[tilespmem:$0x10400] =	vst v63  }
0x102: {  	s22 =	simm.s32 $0x4C00  }
0x103: {  	[tilespmem:s22], [sflag:$0x1] =	stream.indirect_vreg.gather [hbm4b:s1+s3], $0x80, v3, vm0, $0xb8;
	[tilespmem:$0x10400] =	vst v63  }
0x104: {  	v3 =	vld [tilespmem:$0x150];
	_ =	sdelay $0x4  }
0x105: {  	v21 =	vshll.u32 v3, $0x1  }
0x106: {  	v3 =	vand.u32 $0x7, v3;
	v4 =	vand.u32 $0xFFFFFFF0, v21  }
0x107: {  	v3 =	vor.u32 v3, v4  }
0x108: {  	v4 =	vperm.xlane v3, v0;
	_ =	sdelay $0x1  }
0x109: {  	v3 =	vperm.xlane v3, v2;
	v4 =	vadd.s32 v1, v4;
	_ =	sdelay $0x1  }
0x10a: {  	v3 =	vadd.s32 v1, v3;
	_ =	sdelay $0x1  }
0x10b: {  	s25 =	simm.s32 $0x5400  }
0x10c: {  	[tilespmem:s25], [sflag:$0x1] =	stream.indirect_vreg.gather [hbm4b:s1+s3], $0x80, v4, vm0, $0xb8;
	[tilespmem:$0x10400] =	vst v63  }
0x10d: {  	s29 =	simm.s32 $0x5C00  }
0x10e: {  	[tilespmem:s29], [sflag:$0x1] =	stream.indirect_vreg.gather [hbm4b:s1+s3], $0x80, v3, vm0, $0xb8;
	[tilespmem:$0x10400] =	vst v63  }
0x10f: {  	v3 =	vld [tilespmem:$0x160];
	_ =	sdelay $0x4  }
0x110: {  	v22 =	vshll.u32 v3, $0x1  }
0x111: {  	v3 =	vand.u32 $0x7, v3;
	v4 =	vand.u32 $0xFFFFFFF0, v22  }
0x112: {  	v3 =	vor.u32 v3, v4  }
0x113: {  	v4 =	vperm.xlane v3, v0;
	_ =	sdelay $0x1  }
0x114: {  	v3 =	vperm.xlane v3, v2;
	v4 =	vadd.s32 v1, v4;
	_ =	sdelay $0x1  }
0x115: {  	v3 =	vadd.s32 v1, v3;
	_ =	sdelay $0x1  }
0x116: {  	s30 =	simm.s32 $0x6400  }
0x117: {  	[tilespmem:s30], [sflag:$0x1] =	stream.indirect_vreg.gather [hbm4b:s1+s3], $0x80, v4, vm0, $0xb8;
	[tilespmem:$0x10400] =	vst v63  }
0x118: {  	s31 =	simm.s32 $0x6C00  }
0x119: {  	[tilespmem:s31], [sflag:$0x1] =	stream.indirect_vreg.gather [hbm4b:s1+s3], $0x80, v3, vm0, $0xb8;
	[tilespmem:$0x10400] =	vst v63  }
0x11a: {  	v3 =	vld [tilespmem:$0x170];
	_ =	sdelay $0x4  }
0x11b: {  	v23 =	vshll.u32 v3, $0x1  }
0x11c: {  	v3 =	vand.u32 $0x7, v3;
	v4 =	vand.u32 $0xFFFFFFF0, v23  }
0x11d: {  	v3 =	vor.u32 v3, v4  }
0x11e: {  	v4 =	vperm.xlane v3, v0;
	_ =	sdelay $0x1  }
0x11f: {  	v3 =	vperm.xlane v3, v2;
	v4 =	vadd.s32 v1, v4;
	_ =	sdelay $0x1  }
0x120: {  	v3 =	vadd.s32 v1, v3;
	_ =	sdelay $0x1  }
0x121: {  	s11 =	simm.s32 $0x7400  }
0x122: {  	[tilespmem:s11], [sflag:$0x1] =	stream.indirect_vreg.gather [hbm4b:s1+s3], $0x80, v4, vm0, $0xb8;
	[tilespmem:$0x10400] =	vst v63  }
0x123: {  	s7 =	simm.s32 $0x7C00  }
0x124: {  	[tilespmem:s7], [sflag:$0x1] =	stream.indirect_vreg.gather [hbm4b:s1+s3], $0x80, v3, vm0, $0xb8;
	[tilespmem:$0x10400] =	vst v63  }
0x125: {  	s11 =	rddreg [dreg:$0x5]  }
0x126: {  	[hbm4b:s11+s3] =	stream.linear.scatter [tilespmem:s24], [sflag:$0x3], $0x8000, $0x38;
	[tilespmem:$0x10400] =	vst v63  }
0x127: {  	_ =	swait.ge [sflag:s6], $0x8000  }
0x128: {  	[sflag:s6] =	ssyncset.done $0x0  }
0x129: {  	[sflag:s6] =	ssyncadd.s32 $0xFFFF8000  }
0x12a: {  	_ =	swait.ge [sflag:s23], $0x8000  }
0x12b: {  	[sflag:s23] =	ssyncset.done $0x0  }
0x12c: {  	[sflag:s23] =	ssyncadd.s32 $0xFFFF8000  }
0x12d: {  	v3 =	vld [tilespmem:$0x180];
	_ =	sdelay $0x4  }
0x12e: {  	v24 =	vshll.u32 v3, $0x1  }
0x12f: {  	v3 =	vand.u32 $0x7, v3;
	v4 =	vand.u32 $0xFFFFFFF0, v24  }
0x130: {  	v3 =	vor.u32 v3, v4  }
0x131: {  	v4 =	vperm.xlane v3, v0;
	_ =	sdelay $0x1  }
0x132: {  	v3 =	vperm.xlane v3, v2;
	v4 =	vadd.s32 v1, v4;
	_ =	sdelay $0x1  }
0x133: {  	v3 =	vadd.s32 v1, v3;
	_ =	sdelay $0x2  }
0x134: {  	[tilespmem:s24], [sflag:$0x2] =	stream.indirect_vreg.gather [hbm4b:s1+s3], $0x80, v4, vm0, $0xb8;
	[tilespmem:$0x10400] =	vst v63  }
0x135: {  	s7 =	simm.s32 $0x8C00  }
0x136: {  	[tilespmem:s7], [sflag:$0x2] =	stream.indirect_vreg.gather [hbm4b:s1+s3], $0x80, v3, vm0, $0xb8;
	[tilespmem:$0x10400] =	vst v63  }
0x137: {  	v3 =	vld [tilespmem:$0x190];
	_ =	sdelay $0x4  }
0x138: {  	v25 =	vshll.u32 v3, $0x1  }
0x139: {  	v3 =	vand.u32 $0x7, v3;
	v4 =	vand.u32 $0xFFFFFFF0, v25  }
0x13a: {  	v3 =	vor.u32 v3, v4  }
0x13b: {  	v4 =	vperm.xlane v3, v0;
	_ =	sdelay $0x1  }
0x13c: {  	v3 =	vperm.xlane v3, v2;
	v4 =	vadd.s32 v1, v4;
	_ =	sdelay $0x1  }
0x13d: {  	v3 =	vadd.s32 v1, v3;
	_ =	sdelay $0x1  }
0x13e: {  	s2 =	simm.s32 $0x9400  }
0x13f: {  	[tilespmem:s2], [sflag:$0x2] =	stream.indirect_vreg.gather [hbm4b:s1+s3], $0x80, v4, vm0, $0xb8;
	[tilespmem:$0x10400] =	vst v63  }
0x140: {  	s8 =	simm.s32 $0x9C00  }
0x141: {  	[tilespmem:s8], [sflag:$0x2] =	stream.indirect_vreg.gather [hbm4b:s1+s3], $0x80, v3, vm0, $0xb8;
	[tilespmem:$0x10400] =	vst v63  }
0x142: {  	v3 =	vld [tilespmem:$0x1A0];
	_ =	sdelay $0x4  }
0x143: {  	v26 =	vshll.u32 v3, $0x1  }
0x144: {  	v3 =	vand.u32 $0x7, v3;
	v4 =	vand.u32 $0xFFFFFFF0, v26  }
0x145: {  	v3 =	vor.u32 v3, v4  }
0x146: {  	v4 =	vperm.xlane v3, v0;
	_ =	sdelay $0x1  }
0x147: {  	v3 =	vperm.xlane v3, v2;
	v4 =	vadd.s32 v1, v4;
	_ =	sdelay $0x1  }
0x148: {  	v3 =	vadd.s32 v1, v3;
	_ =	sdelay $0x1  }
0x149: {  	s4 =	simm.s32 $0xA400  }
0x14a: {  	[tilespmem:s4], [sflag:$0x2] =	stream.indirect_vreg.gather [hbm4b:s1+s3], $0x80, v4, vm0, $0xb8;
	[tilespmem:$0x10400] =	vst v63  }
0x14b: {  	s9 =	simm.s32 $0xAC00  }
0x14c: {  	[tilespmem:s9], [sflag:$0x2] =	stream.indirect_vreg.gather [hbm4b:s1+s3], $0x80, v3, vm0, $0xb8;
	[tilespmem:$0x10400] =	vst v63  }
0x14d: {  	v3 =	vld [tilespmem:$0x1B0];
	_ =	sdelay $0x4  }
0x14e: {  	v27 =	vshll.u32 v3, $0x1  }
0x14f: {  	v3 =	vand.u32 $0x7, v3;
	v4 =	vand.u32 $0xFFFFFFF0, v27  }
0x150: {  	v3 =	vor.u32 v3, v4  }
0x151: {  	v4 =	vperm.xlane v3, v0;
	_ =	sdelay $0x1  }
0x152: {  	v3 =	vperm.xlane v3, v2;
	v4 =	vadd.s32 v1, v4;
	_ =	sdelay $0x1  }
0x153: {  	v3 =	vadd.s32 v1, v3;
	_ =	sdelay $0x1  }
0x154: {  	s8 =	simm.s32 $0xB400  }
0x155: {  	[tilespmem:s8], [sflag:$0x2] =	stream.indirect_vreg.gather [hbm4b:s1+s3], $0x80, v4, vm0, $0xb8;
	[tilespmem:$0x10400] =	vst v63  }
0x156: {  	s10 =	simm.s32 $0xBC00  }
0x157: {  	[tilespmem:s10], [sflag:$0x2] =	stream.indirect_vreg.gather [hbm4b:s1+s3], $0x80, v3, vm0, $0xb8;
	[tilespmem:$0x10400] =	vst v63  }
0x158: {  	v3 =	vld [tilespmem:$0x1C0];
	_ =	sdelay $0x4  }
0x159: {  	v28 =	vshll.u32 v3, $0x1  }
0x15a: {  	v3 =	vand.u32 $0x7, v3;
	v4 =	vand.u32 $0xFFFFFFF0, v28  }
0x15b: {  	v3 =	vor.u32 v3, v4  }
0x15c: {  	v4 =	vperm.xlane v3, v0;
	_ =	sdelay $0x1  }
0x15d: {  	v3 =	vperm.xlane v3, v2;
	v4 =	vadd.s32 v1, v4;
	_ =	sdelay $0x1  }
0x15e: {  	v3 =	vadd.s32 v1, v3;
	_ =	sdelay $0x1  }
0x15f: {  	s0 =	simm.s32 $0xC400  }
0x160: {  	[tilespmem:s0], [sflag:$0x2] =	stream.indirect_vreg.gather [hbm4b:s1+s3], $0x80, v4, vm0, $0xb8;
	[tilespmem:$0x10400] =	vst v63  }
0x161: {  	s9 =	simm.s32 $0xCC00  }
0x162: {  	[tilespmem:s9], [sflag:$0x2] =	stream.indirect_vreg.gather [hbm4b:s1+s3], $0x80, v3, vm0, $0xb8;
	[tilespmem:$0x10400] =	vst v63  }
0x163: {  	v3 =	vld [tilespmem:$0x1D0];
	_ =	sdelay $0x4  }
0x164: {  	v29 =	vshll.u32 v3, $0x1  }
0x165: {  	v3 =	vand.u32 $0x7, v3;
	v4 =	vand.u32 $0xFFFFFFF0, v29  }
0x166: {  	v3 =	vor.u32 v3, v4  }
0x167: {  	v4 =	vperm.xlane v3, v0;
	_ =	sdelay $0x1  }
0x168: {  	v3 =	vperm.xlane v3, v2;
	v4 =	vadd.s32 v1, v4;
	_ =	sdelay $0x1  }
0x169: {  	v3 =	vadd.s32 v1, v3;
	_ =	sdelay $0x1  }
0x16a: {  	s2 =	simm.s32 $0xD400  }
0x16b: {  	[tilespmem:s2], [sflag:$0x2] =	stream.indirect_vreg.gather [hbm4b:s1+s3], $0x80, v4, vm0, $0xb8;
	[tilespmem:$0x10400] =	vst v63  }
0x16c: {  	s10 =	simm.s32 $0xDC00  }
0x16d: {  	[tilespmem:s10], [sflag:$0x2] =	stream.indirect_vreg.gather [hbm4b:s1+s3], $0x80, v3, vm0, $0xb8;
	[tilespmem:$0x10400] =	vst v63  }
0x16e: {  	v3 =	vld [tilespmem:$0x1E0];
	_ =	sdelay $0x4  }
0x16f: {  	v30 =	vshll.u32 v3, $0x1  }
0x170: {  	v3 =	vand.u32 $0x7, v3;
	v4 =	vand.u32 $0xFFFFFFF0, v30  }
0x171: {  	v3 =	vor.u32 v3, v4  }
0x172: {  	v4 =	vperm.xlane v3, v0;
	_ =	sdelay $0x1  }
0x173: {  	v3 =	vperm.xlane v3, v2;
	v4 =	vadd.s32 v1, v4;
	_ =	sdelay $0x1  }
0x174: {  	v3 =	vadd.s32 v1, v3;
	_ =	sdelay $0x1  }
0x175: {  	s4 =	simm.s32 $0xE400  }
0x176: {  	[tilespmem:s4], [sflag:$0x2] =	stream.indirect_vreg.gather [hbm4b:s1+s3], $0x80, v4, vm0, $0xb8;
	[tilespmem:$0x10400] =	vst v63  }
0x177: {  	s11 =	simm.s32 $0xEC00  }
0x178: {  	[tilespmem:s11], [sflag:$0x2] =	stream.indirect_vreg.gather [hbm4b:s1+s3], $0x80, v3, vm0, $0xb8;
	[tilespmem:$0x10400] =	vst v63  }
0x179: {  	v3 =	vld [tilespmem:$0x1F0];
	_ =	sdelay $0x4  }
0x17a: {  	v31 =	vshll.u32 v3, $0x1  }
0x17b: {  	v3 =	vand.u32 $0x7, v3;
	v4 =	vand.u32 $0xFFFFFFF0, v31  }
0x17c: {  	v3 =	vor.u32 v3, v4  }
0x17d: {  	v4 =	vperm.xlane v3, v0;
	_ =	sdelay $0x1  }
0x17e: {  	v3 =	vperm.xlane v3, v2;
	v4 =	vadd.s32 v1, v4;
	_ =	sdelay $0x1  }
0x17f: {  	v3 =	vadd.s32 v1, v3;
	_ =	sdelay $0x1  }
0x180: {  	s26 =	simm.s32 $0xF400  }
0x181: {  	[tilespmem:s26], [sflag:$0x2] =	stream.indirect_vreg.gather [hbm4b:s1+s3], $0x80, v4, vm0, $0xb8;
	[tilespmem:$0x10400] =	vst v63  }
0x182: {  	s26 =	simm.s32 $0xFC00  }
0x183: {  	[tilespmem:s26], [sflag:$0x2] =	stream.indirect_vreg.gather [hbm4b:s1+s3], $0x80, v3, vm0, $0xb8;
	[tilespmem:$0x10400] =	vst v63  }
0x184: {  	s15 =	rddreg [dreg:$0x6]  }
0x185: {  	[hbm4b:s15+s3] =	stream.linear.scatter [tilespmem:s28], [sflag:$0x3], $0x8000, $0x38;
	[tilespmem:$0x10400] =	vst v63  }
0x186: {  	_ =	swait.ge [sflag:s6], $0x8000  }
0x187: {  	[sflag:s6] =	ssyncset.done $0x0  }
0x188: {  	[sflag:s6] =	ssyncadd.s32 $0xFFFF8000  }
0x189: {  	_ =	swait.ge [sflag:s14], $0x8000  }
0x18a: {  	[sflag:s14] =	ssyncset.done $0x0  }
0x18b: {  	[sflag:s14] =	ssyncadd.s32 $0xFFFF8000  }
0x18c: {  	v3 =	vld [tilespmem:$0x200];
	_ =	sdelay $0x4  }
0x18d: {  	v32 =	vshll.u32 v3, $0x1  }
0x18e: {  	v3 =	vand.u32 $0x7, v3;
	v4 =	vand.u32 $0xFFFFFFF0, v32  }
0x18f: {  	v3 =	vor.u32 v3, v4  }
0x190: {  	v4 =	vperm.xlane v3, v0;
	_ =	sdelay $0x1  }
0x191: {  	v3 =	vperm.xlane v3, v2;
	v4 =	vadd.s32 v1, v4;
	_ =	sdelay $0x1  }
0x192: {  	v3 =	vadd.s32 v1, v3;
	_ =	sdelay $0x2  }
0x193: {  	[tilespmem:s28], [sflag:$0x1] =	stream.indirect_vreg.gather [hbm4b:s1+s3], $0x80, v4, vm0, $0xb8;
	[tilespmem:$0x10400] =	vst v63  }
0x194: {  	_ = 	snop  }
0x195: {  	[tilespmem:s12], [sflag:$0x1] =	stream.indirect_vreg.gather [hbm4b:s1+s3], $0x80, v3, vm0, $0xb8;
	[tilespmem:$0x10400] =	vst v63  }
0x196: {  	v3 =	vld [tilespmem:$0x210];
	_ =	sdelay $0x4  }
0x197: {  	v33 =	vshll.u32 v3, $0x1  }
0x198: {  	v3 =	vand.u32 $0x7, v3;
	v4 =	vand.u32 $0xFFFFFFF0, v33  }
0x199: {  	v3 =	vor.u32 v3, v4  }
0x19a: {  	v4 =	vperm.xlane v3, v0;
	_ =	sdelay $0x1  }
0x19b: {  	v3 =	vperm.xlane v3, v2;
	v4 =	vadd.s32 v1, v4;
	_ =	sdelay $0x1  }
0x19c: {  	v3 =	vadd.s32 v1, v3;
	_ =	sdelay $0x2  }
0x19d: {  	[tilespmem:s13], [sflag:$0x1] =	stream.indirect_vreg.gather [hbm4b:s1+s3], $0x80, v4, vm0, $0xb8;
	[tilespmem:$0x10400] =	vst v63  }
0x19e: {  	_ = 	snop  }
0x19f: {  	[tilespmem:s16], [sflag:$0x1] =	stream.indirect_vreg.gather [hbm4b:s1+s3], $0x80, v3, vm0, $0xb8;
	[tilespmem:$0x10400] =	vst v63  }
0x1a0: {  	v3 =	vld [tilespmem:$0x220];
	_ =	sdelay $0x4  }
0x1a1: {  	v34 =	vshll.u32 v3, $0x1  }
0x1a2: {  	v3 =	vand.u32 $0x7, v3;
	v4 =	vand.u32 $0xFFFFFFF0, v34  }
0x1a3: {  	v3 =	vor.u32 v3, v4  }
0x1a4: {  	v4 =	vperm.xlane v3, v0;
	_ =	sdelay $0x1  }
0x1a5: {  	v3 =	vperm.xlane v3, v2;
	v4 =	vadd.s32 v1, v4;
	_ =	sdelay $0x1  }
0x1a6: {  	v3 =	vadd.s32 v1, v3;
	_ =	sdelay $0x2  }
0x1a7: {  	[tilespmem:s17], [sflag:$0x1] =	stream.indirect_vreg.gather [hbm4b:s1+s3], $0x80, v4, vm0, $0xb8;
	[tilespmem:$0x10400] =	vst v63  }
0x1a8: {  	_ = 	snop  }
0x1a9: {  	[tilespmem:s18], [sflag:$0x1] =	stream.indirect_vreg.gather [hbm4b:s1+s3], $0x80, v3, vm0, $0xb8;
	[tilespmem:$0x10400] =	vst v63  }
0x1aa: {  	v3 =	vld [tilespmem:$0x230];
	_ =	sdelay $0x4  }
0x1ab: {  	v35 =	vshll.u32 v3, $0x1  }
0x1ac: {  	v3 =	vand.u32 $0x7, v3;
	v4 =	vand.u32 $0xFFFFFFF0, v35  }
0x1ad: {  	v3 =	vor.u32 v3, v4  }
0x1ae: {  	v4 =	vperm.xlane v3, v0;
	_ =	sdelay $0x1  }
0x1af: {  	v3 =	vperm.xlane v3, v2;
	v4 =	vadd.s32 v1, v4;
	_ =	sdelay $0x1  }
0x1b0: {  	v3 =	vadd.s32 v1, v3;
	_ =	sdelay $0x2  }
0x1b1: {  	[tilespmem:s19], [sflag:$0x1] =	stream.indirect_vreg.gather [hbm4b:s1+s3], $0x80, v4, vm0, $0xb8;
	[tilespmem:$0x10400] =	vst v63  }
0x1b2: {  	_ = 	snop  }
0x1b3: {  	[tilespmem:s20], [sflag:$0x1] =	stream.indirect_vreg.gather [hbm4b:s1+s3], $0x80, v3, vm0, $0xb8;
	[tilespmem:$0x10400] =	vst v63  }
0x1b4: {  	v3 =	vld [tilespmem:$0x240];
	_ =	sdelay $0x4  }
0x1b5: {  	v36 =	vshll.u32 v3, $0x1  }
0x1b6: {  	v3 =	vand.u32 $0x7, v3;
	v4 =	vand.u32 $0xFFFFFFF0, v36  }
0x1b7: {  	v3 =	vor.u32 v3, v4  }
0x1b8: {  	v4 =	vperm.xlane v3, v0;
	_ =	sdelay $0x1  }
0x1b9: {  	v3 =	vperm.xlane v3, v2;
	v4 =	vadd.s32 v1, v4;
	_ =	sdelay $0x1  }
0x1ba: {  	v3 =	vadd.s32 v1, v3;
	_ =	sdelay $0x2  }
0x1bb: {  	[tilespmem:s21], [sflag:$0x1] =	stream.indirect_vreg.gather [hbm4b:s1+s3], $0x80, v4, vm0, $0xb8;
	[tilespmem:$0x10400] =	vst v63  }
0x1bc: {  	_ = 	snop  }
0x1bd: {  	[tilespmem:s22], [sflag:$0x1] =	stream.indirect_vreg.gather [hbm4b:s1+s3], $0x80, v3, vm0, $0xb8;
	[tilespmem:$0x10400] =	vst v63  }
0x1be: {  	v3 =	vld [tilespmem:$0x250];
	_ =	sdelay $0x4  }
0x1bf: {  	v37 =	vshll.u32 v3, $0x1  }
0x1c0: {  	v3 =	vand.u32 $0x7, v3;
	v4 =	vand.u32 $0xFFFFFFF0, v37  }
0x1c1: {  	v3 =	vor.u32 v3, v4  }
0x1c2: {  	v4 =	vperm.xlane v3, v0;
	_ =	sdelay $0x1  }
0x1c3: {  	v3 =	vperm.xlane v3, v2;
	v4 =	vadd.s32 v1, v4;
	_ =	sdelay $0x1  }
0x1c4: {  	v3 =	vadd.s32 v1, v3;
	_ =	sdelay $0x2  }
0x1c5: {  	[tilespmem:s25], [sflag:$0x1] =	stream.indirect_vreg.gather [hbm4b:s1+s3], $0x80, v4, vm0, $0xb8;
	[tilespmem:$0x10400] =	vst v63  }
0x1c6: {  	_ = 	snop  }
0x1c7: {  	[tilespmem:s29], [sflag:$0x1] =	stream.indirect_vreg.gather [hbm4b:s1+s3], $0x80, v3, vm0, $0xb8;
	[tilespmem:$0x10400] =	vst v63  }
0x1c8: {  	v3 =	vld [tilespmem:$0x260];
	_ =	sdelay $0x4  }
0x1c9: {  	v38 =	vshll.u32 v3, $0x1  }
0x1ca: {  	v3 =	vand.u32 $0x7, v3;
	v4 =	vand.u32 $0xFFFFFFF0, v38  }
0x1cb: {  	v3 =	vor.u32 v3, v4  }
0x1cc: {  	v4 =	vperm.xlane v3, v0;
	_ =	sdelay $0x1  }
0x1cd: {  	v3 =	vperm.xlane v3, v2;
	v4 =	vadd.s32 v1, v4;
	_ =	sdelay $0x1  }
0x1ce: {  	v3 =	vadd.s32 v1, v3;
	_ =	sdelay $0x2  }
0x1cf: {  	[tilespmem:s30], [sflag:$0x1] =	stream.indirect_vreg.gather [hbm4b:s1+s3], $0x80, v4, vm0, $0xb8;
	[tilespmem:$0x10400] =	vst v63  }
0x1d0: {  	_ = 	snop  }
0x1d1: {  	[tilespmem:s31], [sflag:$0x1] =	stream.indirect_vreg.gather [hbm4b:s1+s3], $0x80, v3, vm0, $0xb8;
	[tilespmem:$0x10400] =	vst v63  }
0x1d2: {  	v3 =	vld [tilespmem:$0x270];
	_ =	sdelay $0x4  }
0x1d3: {  	v39 =	vshll.u32 v3, $0x1  }
0x1d4: {  	v3 =	vand.u32 $0x7, v3;
	v4 =	vand.u32 $0xFFFFFFF0, v39  }
0x1d5: {  	v3 =	vor.u32 v3, v4  }
0x1d6: {  	v4 =	vperm.xlane v3, v0;
	_ =	sdelay $0x1  }
0x1d7: {  	v3 =	vperm.xlane v3, v2;
	v4 =	vadd.s32 v1, v4;
	_ =	sdelay $0x1  }
0x1d8: {  	v3 =	vadd.s32 v1, v3;
	_ =	sdelay $0x1  }
0x1d9: {  	s31 =	simm.s32 $0x7400  }
0x1da: {  	[tilespmem:s31], [sflag:$0x1] =	stream.indirect_vreg.gather [hbm4b:s1+s3], $0x80, v4, vm0, $0xb8;
	[tilespmem:$0x10400] =	vst v63  }
0x1db: {  	s31 =	simm.s32 $0x7C00  }
0x1dc: {  	[tilespmem:s31], [sflag:$0x1] =	stream.indirect_vreg.gather [hbm4b:s1+s3], $0x80, v3, vm0, $0xb8;
	[tilespmem:$0x10400] =	vst v63  }
0x1dd: {  	s15 =	rddreg [dreg:$0x7]  }
0x1de: {  	[hbm4b:s15+s3] =	stream.linear.scatter [tilespmem:s24], [sflag:$0x3], $0x8000, $0x38;
	[tilespmem:$0x10400] =	vst v63  }
0x1df: {  	_ =	swait.ge [sflag:s6], $0x8000  }
0x1e0: {  	[sflag:s6] =	ssyncset.done $0x0  }
0x1e1: {  	[sflag:s6] =	ssyncadd.s32 $0xFFFF8000  }
0x1e2: {  	_ =	swait.ge [sflag:s23], $0x8000  }
0x1e3: {  	[sflag:s23] =	ssyncset.done $0x0  }
0x1e4: {  	[sflag:s23] =	ssyncadd.s32 $0xFFFF8000  }
0x1e5: {  	v3 =	vld [tilespmem:$0x280];
	_ =	sdelay $0x4  }
0x1e6: {  	v40 =	vshll.u32 v3, $0x1  }
0x1e7: {  	v3 =	vand.u32 $0x7, v3;
	v4 =	vand.u32 $0xFFFFFFF0, v40  }
0x1e8: {  	v3 =	vor.u32 v3, v4  }
0x1e9: {  	v4 =	vperm.xlane v3, v0;
	_ =	sdelay $0x1  }
0x1ea: {  	v3 =	vperm.xlane v3, v2;
	v4 =	vadd.s32 v1, v4;
	_ =	sdelay $0x1  }
0x1eb: {  	v3 =	vadd.s32 v1, v3;
	_ =	sdelay $0x2  }
0x1ec: {  	[tilespmem:s24], [sflag:$0x2] =	stream.indirect_vreg.gather [hbm4b:s1+s3], $0x80, v4, vm0, $0xb8;
	[tilespmem:$0x10400] =	vst v63  }
0x1ed: {  	_ = 	snop  }
0x1ee: {  	[tilespmem:s7], [sflag:$0x2] =	stream.indirect_vreg.gather [hbm4b:s1+s3], $0x80, v3, vm0, $0xb8;
	[tilespmem:$0x10400] =	vst v63  }
0x1ef: {  	v3 =	vld [tilespmem:$0x290];
	_ =	sdelay $0x4  }
0x1f0: {  	v41 =	vshll.u32 v3, $0x1  }
0x1f1: {  	v3 =	vand.u32 $0x7, v3;
	v4 =	vand.u32 $0xFFFFFFF0, v41  }
0x1f2: {  	v3 =	vor.u32 v3, v4  }
0x1f3: {  	v4 =	vperm.xlane v3, v0;
	_ =	sdelay $0x1  }
0x1f4: {  	v3 =	vperm.xlane v3, v2;
	v4 =	vadd.s32 v1, v4;
	_ =	sdelay $0x1  }
0x1f5: {  	v3 =	vadd.s32 v1, v3;
	_ =	sdelay $0x1  }
0x1f6: {  	s31 =	simm.s32 $0x9400  }
0x1f7: {  	[tilespmem:s31], [sflag:$0x2] =	stream.indirect_vreg.gather [hbm4b:s1+s3], $0x80, v4, vm0, $0xb8;
	[tilespmem:$0x10400] =	vst v63  }
0x1f8: {  	s31 =	simm.s32 $0x9C00  }
0x1f9: {  	[tilespmem:s31], [sflag:$0x2] =	stream.indirect_vreg.gather [hbm4b:s1+s3], $0x80, v3, vm0, $0xb8;
	[tilespmem:$0x10400] =	vst v63  }
0x1fa: {  	v3 =	vld [tilespmem:$0x2A0];
	_ =	sdelay $0x4  }
0x1fb: {  	v42 =	vshll.u32 v3, $0x1  }
0x1fc: {  	v3 =	vand.u32 $0x7, v3;
	v4 =	vand.u32 $0xFFFFFFF0, v42  }
0x1fd: {  	v3 =	vor.u32 v3, v4  }
0x1fe: {  	v4 =	vperm.xlane v3, v0;
	_ =	sdelay $0x1  }
0x1ff: {  	v3 =	vperm.xlane v3, v2;
	v4 =	vadd.s32 v1, v4;
	_ =	sdelay $0x1  }
0x200: {  	v3 =	vadd.s32 v1, v3;
	_ =	sdelay $0x1  }
0x201: {  	s31 =	simm.s32 $0xA400  }
0x202: {  	[tilespmem:s31], [sflag:$0x2] =	stream.indirect_vreg.gather [hbm4b:s1+s3], $0x80, v4, vm0, $0xb8;
	[tilespmem:$0x10400] =	vst v63  }
0x203: {  	s31 =	simm.s32 $0xAC00  }
0x204: {  	[tilespmem:s31], [sflag:$0x2] =	stream.indirect_vreg.gather [hbm4b:s1+s3], $0x80, v3, vm0, $0xb8;
	[tilespmem:$0x10400] =	vst v63  }
0x205: {  	v3 =	vld [tilespmem:$0x2B0];
	_ =	sdelay $0x4  }
0x206: {  	v43 =	vshll.u32 v3, $0x1  }
0x207: {  	v3 =	vand.u32 $0x7, v3;
	v4 =	vand.u32 $0xFFFFFFF0, v43  }
0x208: {  	v3 =	vor.u32 v3, v4  }
0x209: {  	v4 =	vperm.xlane v3, v0;
	_ =	sdelay $0x1  }
0x20a: {  	v3 =	vperm.xlane v3, v2;
	v4 =	vadd.s32 v1, v4;
	_ =	sdelay $0x1  }
0x20b: {  	v3 =	vadd.s32 v1, v3;
	_ =	sdelay $0x2  }
0x20c: {  	[tilespmem:s8], [sflag:$0x2] =	stream.indirect_vreg.gather [hbm4b:s1+s3], $0x80, v4, vm0, $0xb8;
	[tilespmem:$0x10400] =	vst v63  }
0x20d: {  	s31 =	simm.s32 $0xBC00  }
0x20e: {  	[tilespmem:s31], [sflag:$0x2] =	stream.indirect_vreg.gather [hbm4b:s1+s3], $0x80, v3, vm0, $0xb8;
	[tilespmem:$0x10400] =	vst v63  }
0x20f: {  	v3 =	vld [tilespmem:$0x2C0];
	_ =	sdelay $0x4  }
0x210: {  	v44 =	vshll.u32 v3, $0x1  }
0x211: {  	v3 =	vand.u32 $0x7, v3;
	v4 =	vand.u32 $0xFFFFFFF0, v44  }
0x212: {  	v3 =	vor.u32 v3, v4  }
0x213: {  	v4 =	vperm.xlane v3, v0;
	_ =	sdelay $0x1  }
0x214: {  	v3 =	vperm.xlane v3, v2;
	v4 =	vadd.s32 v1, v4;
	_ =	sdelay $0x1  }
0x215: {  	v3 =	vadd.s32 v1, v3;
	_ =	sdelay $0x2  }
0x216: {  	[tilespmem:s0], [sflag:$0x2] =	stream.indirect_vreg.gather [hbm4b:s1+s3], $0x80, v4, vm0, $0xb8;
	[tilespmem:$0x10400] =	vst v63  }
0x217: {  	_ = 	snop  }
0x218: {  	[tilespmem:s9], [sflag:$0x2] =	stream.indirect_vreg.gather [hbm4b:s1+s3], $0x80, v3, vm0, $0xb8;
	[tilespmem:$0x10400] =	vst v63  }
0x219: {  	v3 =	vld [tilespmem:$0x2D0];
	_ =	sdelay $0x4  }
0x21a: {  	v45 =	vshll.u32 v3, $0x1  }
0x21b: {  	v3 =	vand.u32 $0x7, v3;
	v4 =	vand.u32 $0xFFFFFFF0, v45  }
0x21c: {  	v3 =	vor.u32 v3, v4  }
0x21d: {  	v4 =	vperm.xlane v3, v0;
	_ =	sdelay $0x1  }
0x21e: {  	v3 =	vperm.xlane v3, v2;
	v4 =	vadd.s32 v1, v4;
	_ =	sdelay $0x1  }
0x21f: {  	v3 =	vadd.s32 v1, v3;
	_ =	sdelay $0x2  }
0x220: {  	[tilespmem:s2], [sflag:$0x2] =	stream.indirect_vreg.gather [hbm4b:s1+s3], $0x80, v4, vm0, $0xb8;
	[tilespmem:$0x10400] =	vst v63  }
0x221: {  	_ = 	snop  }
0x222: {  	[tilespmem:s10], [sflag:$0x2] =	stream.indirect_vreg.gather [hbm4b:s1+s3], $0x80, v3, vm0, $0xb8;
	[tilespmem:$0x10400] =	vst v63  }
0x223: {  	v3 =	vld [tilespmem:$0x2E0];
	_ =	sdelay $0x4  }
0x224: {  	v46 =	vshll.u32 v3, $0x1  }
0x225: {  	v3 =	vand.u32 $0x7, v3;
	v4 =	vand.u32 $0xFFFFFFF0, v46  }
0x226: {  	v3 =	vor.u32 v3, v4  }
0x227: {  	v4 =	vperm.xlane v3, v0;
	_ =	sdelay $0x1  }
0x228: {  	v3 =	vperm.xlane v3, v2;
	v4 =	vadd.s32 v1, v4;
	_ =	sdelay $0x1  }
0x229: {  	v3 =	vadd.s32 v1, v3;
	_ =	sdelay $0x2  }
0x22a: {  	[tilespmem:s4], [sflag:$0x2] =	stream.indirect_vreg.gather [hbm4b:s1+s3], $0x80, v4, vm0, $0xb8;
	[tilespmem:$0x10400] =	vst v63  }
0x22b: {  	_ = 	snop  }
0x22c: {  	[tilespmem:s11], [sflag:$0x2] =	stream.indirect_vreg.gather [hbm4b:s1+s3], $0x80, v3, vm0, $0xb8;
	[tilespmem:$0x10400] =	vst v63  }
0x22d: {  	v3 =	vld [tilespmem:$0x2F0];
	_ =	sdelay $0x4  }
0x22e: {  	v47 =	vshll.u32 v3, $0x1  }
0x22f: {  	v3 =	vand.u32 $0x7, v3;
	v4 =	vand.u32 $0xFFFFFFF0, v47  }
0x230: {  	v3 =	vor.u32 v3, v4  }
0x231: {  	v4 =	vperm.xlane v3, v0;
	_ =	sdelay $0x1  }
0x232: {  	v3 =	vperm.xlane v3, v2;
	v4 =	vadd.s32 v1, v4;
	_ =	sdelay $0x1  }
0x233: {  	v3 =	vadd.s32 v1, v3;
	_ =	sdelay $0x1  }
0x234: {  	s31 =	simm.s32 $0xF400  }
0x235: {  	[tilespmem:s31], [sflag:$0x2] =	stream.indirect_vreg.gather [hbm4b:s1+s3], $0x80, v4, vm0, $0xb8;
	[tilespmem:$0x10400] =	vst v63  }
0x236: {  	s31 =	simm.s32 $0xFC00  }
0x237: {  	[tilespmem:s31], [sflag:$0x2] =	stream.indirect_vreg.gather [hbm4b:s1+s3], $0x80, v3, vm0, $0xb8;
	[tilespmem:$0x10400] =	vst v63  }
0x238: {  	s15 =	rddreg [dreg:$0x8]  }
0x239: {  	[hbm4b:s15+s3] =	stream.linear.scatter [tilespmem:s28], [sflag:$0x3], $0x8000, $0x38;
	[tilespmem:$0x10400] =	vst v63  }
0x23a: {  	_ =	swait.ge [sflag:s6], $0x8000  }
0x23b: {  	[sflag:s6] =	ssyncset.done $0x0  }
0x23c: {  	[sflag:s6] =	ssyncadd.s32 $0xFFFF8000  }
0x23d: {  	_ =	swait.ge [sflag:s14], $0x8000  }
0x23e: {  	[sflag:s14] =	ssyncset.done $0x0  }
0x23f: {  	[sflag:s14] =	ssyncadd.s32 $0xFFFF8000  }
0x240: {  	v3 =	vld [tilespmem:$0x300];
	_ =	sdelay $0x4  }
0x241: {  	v48 =	vshll.u32 v3, $0x1  }
0x242: {  	v3 =	vand.u32 $0x7, v3;
	v4 =	vand.u32 $0xFFFFFFF0, v48  }
0x243: {  	v3 =	vor.u32 v3, v4  }
0x244: {  	v4 =	vperm.xlane v3, v0;
	_ =	sdelay $0x1  }
0x245: {  	v3 =	vperm.xlane v3, v2;
	v4 =	vadd.s32 v1, v4;
	_ =	sdelay $0x1  }
0x246: {  	v3 =	vadd.s32 v1, v3;
	_ =	sdelay $0x2  }
0x247: {  	[tilespmem:s28], [sflag:$0x1] =	stream.indirect_vreg.gather [hbm4b:s1+s3], $0x80, v4, vm0, $0xb8;
	[tilespmem:$0x10400] =	vst v63  }
0x248: {  	s12 =	simm.s32 $0xC00  }
0x249: {  	[tilespmem:s12], [sflag:$0x1] =	stream.indirect_vreg.gather [hbm4b:s1+s3], $0x80, v3, vm0, $0xb8;
	[tilespmem:$0x10400] =	vst v63  }
0x24a: {  	v3 =	vld [tilespmem:$0x310];
	_ =	sdelay $0x4  }
0x24b: {  	v49 =	vshll.u32 v3, $0x1  }
0x24c: {  	v3 =	vand.u32 $0x7, v3;
	v4 =	vand.u32 $0xFFFFFFF0, v49  }
0x24d: {  	v3 =	vor.u32 v3, v4  }
0x24e: {  	v4 =	vperm.xlane v3, v0;
	_ =	sdelay $0x1  }
0x24f: {  	v3 =	vperm.xlane v3, v2;
	v4 =	vadd.s32 v1, v4;
	_ =	sdelay $0x1  }
0x250: {  	v3 =	vadd.s32 v1, v3;
	_ =	sdelay $0x1  }
0x251: {  	s13 =	simm.s32 $0x1400  }
0x252: {  	[tilespmem:s13], [sflag:$0x1] =	stream.indirect_vreg.gather [hbm4b:s1+s3], $0x80, v4, vm0, $0xb8;
	[tilespmem:$0x10400] =	vst v63  }
0x253: {  	s16 =	simm.s32 $0x1C00  }
0x254: {  	[tilespmem:s16], [sflag:$0x1] =	stream.indirect_vreg.gather [hbm4b:s1+s3], $0x80, v3, vm0, $0xb8;
	[tilespmem:$0x10400] =	vst v63  }
0x255: {  	v3 =	vld [tilespmem:$0x320];
	_ =	sdelay $0x4  }
0x256: {  	v50 =	vshll.u32 v3, $0x1  }
0x257: {  	v3 =	vand.u32 $0x7, v3;
	v4 =	vand.u32 $0xFFFFFFF0, v50  }
0x258: {  	v3 =	vor.u32 v3, v4  }
0x259: {  	v4 =	vperm.xlane v3, v0;
	_ =	sdelay $0x1  }
0x25a: {  	v3 =	vperm.xlane v3, v2;
	v4 =	vadd.s32 v1, v4;
	_ =	sdelay $0x1  }
0x25b: {  	v3 =	vadd.s32 v1, v3;
	_ =	sdelay $0x1  }
0x25c: {  	s17 =	simm.s32 $0x2400  }
0x25d: {  	[tilespmem:s17], [sflag:$0x1] =	stream.indirect_vreg.gather [hbm4b:s1+s3], $0x80, v4, vm0, $0xb8;
	[tilespmem:$0x10400] =	vst v63  }
0x25e: {  	s18 =	simm.s32 $0x2C00  }
0x25f: {  	[tilespmem:s18], [sflag:$0x1] =	stream.indirect_vreg.gather [hbm4b:s1+s3], $0x80, v3, vm0, $0xb8;
	[tilespmem:$0x10400] =	vst v63  }
0x260: {  	v3 =	vld [tilespmem:$0x330];
	_ =	sdelay $0x4  }
0x261: {  	v51 =	vshll.u32 v3, $0x1  }
0x262: {  	v3 =	vand.u32 $0x7, v3;
	v4 =	vand.u32 $0xFFFFFFF0, v51  }
0x263: {  	v3 =	vor.u32 v3, v4  }
0x264: {  	v4 =	vperm.xlane v3, v0;
	_ =	sdelay $0x1  }
0x265: {  	v3 =	vperm.xlane v3, v2;
	v4 =	vadd.s32 v1, v4;
	_ =	sdelay $0x1  }
0x266: {  	v3 =	vadd.s32 v1, v3;
	_ =	sdelay $0x1  }
0x267: {  	s19 =	simm.s32 $0x3400  }
0x268: {  	[tilespmem:s19], [sflag:$0x1] =	stream.indirect_vreg.gather [hbm4b:s1+s3], $0x80, v4, vm0, $0xb8;
	[tilespmem:$0x10400] =	vst v63  }
0x269: {  	s20 =	simm.s32 $0x3C00  }
0x26a: {  	[tilespmem:s20], [sflag:$0x1] =	stream.indirect_vreg.gather [hbm4b:s1+s3], $0x80, v3, vm0, $0xb8;
	[tilespmem:$0x10400] =	vst v63  }
0x26b: {  	v3 =	vld [tilespmem:$0x340];
	_ =	sdelay $0x4  }
0x26c: {  	v52 =	vshll.u32 v3, $0x1  }
0x26d: {  	v3 =	vand.u32 $0x7, v3;
	v4 =	vand.u32 $0xFFFFFFF0, v52  }
0x26e: {  	v3 =	vor.u32 v3, v4  }
0x26f: {  	v4 =	vperm.xlane v3, v0;
	_ =	sdelay $0x1  }
0x270: {  	v3 =	vperm.xlane v3, v2;
	v4 =	vadd.s32 v1, v4;
	_ =	sdelay $0x1  }
0x271: {  	v3 =	vadd.s32 v1, v3;
	_ =	sdelay $0x1  }
0x272: {  	s21 =	simm.s32 $0x4400  }
0x273: {  	[tilespmem:s21], [sflag:$0x1] =	stream.indirect_vreg.gather [hbm4b:s1+s3], $0x80, v4, vm0, $0xb8;
	[tilespmem:$0x10400] =	vst v63  }
0x274: {  	s22 =	simm.s32 $0x4C00  }
0x275: {  	[tilespmem:s22], [sflag:$0x1] =	stream.indirect_vreg.gather [hbm4b:s1+s3], $0x80, v3, vm0, $0xb8;
	[tilespmem:$0x10400] =	vst v63  }
0x276: {  	v3 =	vld [tilespmem:$0x350];
	_ =	sdelay $0x4  }
0x277: {  	v53 =	vshll.u32 v3, $0x1  }
0x278: {  	v3 =	vand.u32 $0x7, v3;
	v4 =	vand.u32 $0xFFFFFFF0, v53  }
0x279: {  	v3 =	vor.u32 v3, v4  }
0x27a: {  	v4 =	vperm.xlane v3, v0;
	_ =	sdelay $0x1  }
0x27b: {  	v3 =	vperm.xlane v3, v2;
	v4 =	vadd.s32 v1, v4;
	_ =	sdelay $0x1  }
0x27c: {  	v3 =	vadd.s32 v1, v3;
	_ =	sdelay $0x1  }
0x27d: {  	s25 =	simm.s32 $0x5400  }
0x27e: {  	[tilespmem:s25], [sflag:$0x1] =	stream.indirect_vreg.gather [hbm4b:s1+s3], $0x80, v4, vm0, $0xb8;
	[tilespmem:$0x10400] =	vst v63  }
0x27f: {  	s26 =	simm.s32 $0x5C00  }
0x280: {  	[tilespmem:s26], [sflag:$0x1] =	stream.indirect_vreg.gather [hbm4b:s1+s3], $0x80, v3, vm0, $0xb8;
	[tilespmem:$0x10400] =	vst v63  }
0x281: {  	v3 =	vld [tilespmem:$0x360];
	_ =	sdelay $0x4  }
0x282: {  	v54 =	vshll.u32 v3, $0x1  }
0x283: {  	v3 =	vand.u32 $0x7, v3;
	v4 =	vand.u32 $0xFFFFFFF0, v54  }
0x284: {  	v3 =	vor.u32 v3, v4  }
0x285: {  	v4 =	vperm.xlane v3, v0;
	_ =	sdelay $0x1  }
0x286: {  	v3 =	vperm.xlane v3, v2;
	v4 =	vadd.s32 v1, v4;
	_ =	sdelay $0x1  }
0x287: {  	v3 =	vadd.s32 v1, v3;
	_ =	sdelay $0x1  }
0x288: {  	s29 =	simm.s32 $0x6400  }
0x289: {  	[tilespmem:s29], [sflag:$0x1] =	stream.indirect_vreg.gather [hbm4b:s1+s3], $0x80, v4, vm0, $0xb8;
	[tilespmem:$0x10400] =	vst v63  }
0x28a: {  	s30 =	simm.s32 $0x6C00  }
0x28b: {  	[tilespmem:s30], [sflag:$0x1] =	stream.indirect_vreg.gather [hbm4b:s1+s3], $0x80, v3, vm0, $0xb8;
	[tilespmem:$0x10400] =	vst v63  }
0x28c: {  	v3 =	vld [tilespmem:$0x370];
	_ =	sdelay $0x4  }
0x28d: {  	v55 =	vshll.u32 v3, $0x1  }
0x28e: {  	v3 =	vand.u32 $0x7, v3;
	v4 =	vand.u32 $0xFFFFFFF0, v55  }
0x28f: {  	v3 =	vor.u32 v3, v4  }
0x290: {  	v4 =	vperm.xlane v3, v0;
	_ =	sdelay $0x1  }
0x291: {  	v3 =	vperm.xlane v3, v2;
	v4 =	vadd.s32 v1, v4;
	_ =	sdelay $0x1  }
0x292: {  	v3 =	vadd.s32 v1, v3;
	_ =	sdelay $0x1  }
0x293: {  	s17 =	simm.s32 $0x7400  }
0x294: {  	[tilespmem:s17], [sflag:$0x1] =	stream.indirect_vreg.gather [hbm4b:s1+s3], $0x80, v4, vm0, $0xb8;
	[tilespmem:$0x10400] =	vst v63  }
0x295: {  	s19 =	simm.s32 $0x7C00  }
0x296: {  	[tilespmem:s19], [sflag:$0x1] =	stream.indirect_vreg.gather [hbm4b:s1+s3], $0x80, v3, vm0, $0xb8;
	[tilespmem:$0x10400] =	vst v63  }
0x297: {  	s18 =	rddreg [dreg:$0x9]  }
0x298: {  	[hbm4b:s18+s3] =	stream.linear.scatter [tilespmem:s24], [sflag:$0x3], $0x8000, $0x38;
	[tilespmem:$0x10400] =	vst v63  }
0x299: {  	_ =	swait.ge [sflag:s6], $0x8000  }
0x29a: {  	[sflag:s6] =	ssyncset.done $0x0  }
0x29b: {  	[sflag:s6] =	ssyncadd.s32 $0xFFFF8000  }
0x29c: {  	_ =	swait.ge [sflag:s23], $0x8000  }
0x29d: {  	[sflag:s23] =	ssyncset.done $0x0  }
0x29e: {  	[sflag:s23] =	ssyncadd.s32 $0xFFFF8000  }
0x29f: {  	v3 =	vld [tilespmem:$0x380];
	_ =	sdelay $0x4  }
0x2a0: {  	v56 =	vshll.u32 v3, $0x1  }
0x2a1: {  	v3 =	vand.u32 $0x7, v3;
	v4 =	vand.u32 $0xFFFFFFF0, v56  }
0x2a2: {  	v3 =	vor.u32 v3, v4  }
0x2a3: {  	v4 =	vperm.xlane v3, v0;
	_ =	sdelay $0x1  }
0x2a4: {  	v3 =	vperm.xlane v3, v2;
	v4 =	vadd.s32 v1, v4;
	_ =	sdelay $0x1  }
0x2a5: {  	v3 =	vadd.s32 v1, v3;
	_ =	sdelay $0x2  }
0x2a6: {  	[tilespmem:s24], [sflag:$0x2] =	stream.indirect_vreg.gather [hbm4b:s1+s3], $0x80, v4, vm0, $0xb8;
	[tilespmem:$0x10400] =	vst v63  }
0x2a7: {  	s7 =	simm.s32 $0x8C00  }
0x2a8: {  	[tilespmem:s7], [sflag:$0x2] =	stream.indirect_vreg.gather [hbm4b:s1+s3], $0x80, v3, vm0, $0xb8;
	[tilespmem:$0x10400] =	vst v63  }
0x2a9: {  	v3 =	vld [tilespmem:$0x390];
	_ =	sdelay $0x4  }
0x2aa: {  	v57 =	vshll.u32 v3, $0x1  }
0x2ab: {  	v3 =	vand.u32 $0x7, v3;
	v4 =	vand.u32 $0xFFFFFFF0, v57  }
0x2ac: {  	v3 =	vor.u32 v3, v4  }
0x2ad: {  	v4 =	vperm.xlane v3, v0;
	_ =	sdelay $0x1  }
0x2ae: {  	v3 =	vperm.xlane v3, v2;
	v4 =	vadd.s32 v1, v4;
	_ =	sdelay $0x1  }
0x2af: {  	v3 =	vadd.s32 v1, v3;
	_ =	sdelay $0x1  }
0x2b0: {  	s20 =	simm.s32 $0x9400  }
0x2b1: {  	[tilespmem:s20], [sflag:$0x2] =	stream.indirect_vreg.gather [hbm4b:s1+s3], $0x80, v4, vm0, $0xb8;
	[tilespmem:$0x10400] =	vst v63  }
0x2b2: {  	s21 =	simm.s32 $0x9C00  }
0x2b3: {  	[tilespmem:s21], [sflag:$0x2] =	stream.indirect_vreg.gather [hbm4b:s1+s3], $0x80, v3, vm0, $0xb8;
	[tilespmem:$0x10400] =	vst v63  }
0x2b4: {  	v3 =	vld [tilespmem:$0x3A0];
	_ =	sdelay $0x4  }
0x2b5: {  	v58 =	vshll.u32 v3, $0x1  }
0x2b6: {  	v3 =	vand.u32 $0x7, v3;
	v4 =	vand.u32 $0xFFFFFFF0, v58  }
0x2b7: {  	v3 =	vor.u32 v3, v4  }
0x2b8: {  	v4 =	vperm.xlane v3, v0;
	_ =	sdelay $0x1  }
0x2b9: {  	v3 =	vperm.xlane v3, v2;
	v4 =	vadd.s32 v1, v4;
	_ =	sdelay $0x1  }
0x2ba: {  	v3 =	vadd.s32 v1, v3;
	_ =	sdelay $0x1  }
0x2bb: {  	s22 =	simm.s32 $0xA400  }
0x2bc: {  	[tilespmem:s22], [sflag:$0x2] =	stream.indirect_vreg.gather [hbm4b:s1+s3], $0x80, v4, vm0, $0xb8;
	[tilespmem:$0x10400] =	vst v63  }
0x2bd: {  	s25 =	simm.s32 $0xAC00  }
0x2be: {  	[tilespmem:s25], [sflag:$0x2] =	stream.indirect_vreg.gather [hbm4b:s1+s3], $0x80, v3, vm0, $0xb8;
	[tilespmem:$0x10400] =	vst v63  }
0x2bf: {  	v3 =	vld [tilespmem:$0x3B0];
	_ =	sdelay $0x4  }
0x2c0: {  	v59 =	vshll.u32 v3, $0x1  }
0x2c1: {  	v3 =	vand.u32 $0x7, v3;
	v4 =	vand.u32 $0xFFFFFFF0, v59  }
0x2c2: {  	v3 =	vor.u32 v3, v4  }
0x2c3: {  	v4 =	vperm.xlane v3, v0;
	_ =	sdelay $0x1  }
0x2c4: {  	v3 =	vperm.xlane v3, v2;
	v4 =	vadd.s32 v1, v4;
	_ =	sdelay $0x1  }
0x2c5: {  	v3 =	vadd.s32 v1, v3;
	_ =	sdelay $0x1  }
0x2c6: {  	s8 =	simm.s32 $0xB400  }
0x2c7: {  	[tilespmem:s8], [sflag:$0x2] =	stream.indirect_vreg.gather [hbm4b:s1+s3], $0x80, v4, vm0, $0xb8;
	[tilespmem:$0x10400] =	vst v63  }
0x2c8: {  	s26 =	simm.s32 $0xBC00  }
0x2c9: {  	[tilespmem:s26], [sflag:$0x2] =	stream.indirect_vreg.gather [hbm4b:s1+s3], $0x80, v3, vm0, $0xb8;
	[tilespmem:$0x10400] =	vst v63  }
0x2ca: {  	v3 =	vld [tilespmem:$0x3C0];
	_ =	sdelay $0x4  }
0x2cb: {  	v60 =	vshll.u32 v3, $0x1  }
0x2cc: {  	v3 =	vand.u32 $0x7, v3;
	v4 =	vand.u32 $0xFFFFFFF0, v60  }
0x2cd: {  	v3 =	vor.u32 v3, v4  }
0x2ce: {  	v4 =	vperm.xlane v3, v0;
	_ =	sdelay $0x1  }
0x2cf: {  	v3 =	vperm.xlane v3, v2;
	v4 =	vadd.s32 v1, v4;
	_ =	sdelay $0x1  }
0x2d0: {  	v3 =	vadd.s32 v1, v3;
	_ =	sdelay $0x1  }
0x2d1: {  	s0 =	simm.s32 $0xC400  }
0x2d2: {  	[tilespmem:s0], [sflag:$0x2] =	stream.indirect_vreg.gather [hbm4b:s1+s3], $0x80, v4, vm0, $0xb8;
	[tilespmem:$0x10400] =	vst v63  }
0x2d3: {  	s9 =	simm.s32 $0xCC00  }
0x2d4: {  	[tilespmem:s9], [sflag:$0x2] =	stream.indirect_vreg.gather [hbm4b:s1+s3], $0x80, v3, vm0, $0xb8;
	[tilespmem:$0x10400] =	vst v63  }
0x2d5: {  	v3 =	vld [tilespmem:$0x3D0];
	_ =	sdelay $0x4  }
0x2d6: {  	v61 =	vshll.u32 v3, $0x1  }
0x2d7: {  	v3 =	vand.u32 $0x7, v3;
	v4 =	vand.u32 $0xFFFFFFF0, v61  }
0x2d8: {  	v3 =	vor.u32 v3, v4  }
0x2d9: {  	v4 =	vperm.xlane v3, v0;
	_ =	sdelay $0x1  }
0x2da: {  	v3 =	vperm.xlane v3, v2;
	v4 =	vadd.s32 v1, v4;
	_ =	sdelay $0x1  }
0x2db: {  	v3 =	vadd.s32 v1, v3;
	_ =	sdelay $0x1  }
0x2dc: {  	s2 =	simm.s32 $0xD400  }
0x2dd: {  	[tilespmem:s2], [sflag:$0x2] =	stream.indirect_vreg.gather [hbm4b:s1+s3], $0x80, v4, vm0, $0xb8;
	[tilespmem:$0x10400] =	vst v63  }
0x2de: {  	s10 =	simm.s32 $0xDC00  }
0x2df: {  	[tilespmem:s10], [sflag:$0x2] =	stream.indirect_vreg.gather [hbm4b:s1+s3], $0x80, v3, vm0, $0xb8;
	[tilespmem:$0x10400] =	vst v63  }
0x2e0: {  	v3 =	vld [tilespmem:$0x3E0];
	_ =	sdelay $0x4  }
0x2e1: {  	v62 =	vshll.u32 v3, $0x1  }
0x2e2: {  	v3 =	vand.u32 $0x7, v3;
	v4 =	vand.u32 $0xFFFFFFF0, v62  }
0x2e3: {  	v3 =	vor.u32 v3, v4  }
0x2e4: {  	v4 =	vperm.xlane v3, v0;
	_ =	sdelay $0x1  }
0x2e5: {  	v3 =	vperm.xlane v3, v2;
	v4 =	vadd.s32 v1, v4;
	_ =	sdelay $0x1  }
0x2e6: {  	v3 =	vadd.s32 v1, v3;
	_ =	sdelay $0x1  }
0x2e7: {  	s4 =	simm.s32 $0xE400  }
0x2e8: {  	[tilespmem:s4], [sflag:$0x2] =	stream.indirect_vreg.gather [hbm4b:s1+s3], $0x80, v4, vm0, $0xb8;
	[tilespmem:$0x10400] =	vst v63  }
0x2e9: {  	s11 =	simm.s32 $0xEC00  }
0x2ea: {  	[tilespmem:s11], [sflag:$0x2] =	stream.indirect_vreg.gather [hbm4b:s1+s3], $0x80, v3, vm0, $0xb8;
	[tilespmem:$0x10400] =	vst v63  }
0x2eb: {  	v3 =	vld [tilespmem:$0x3F0];
	_ =	sdelay $0x4  }
0x2ec: {  	v63 =	vshll.u32 v3, $0x1  }
0x2ed: {  	v3 =	vand.u32 $0x7, v3;
	v4 =	vand.u32 $0xFFFFFFF0, v63  }
0x2ee: {  	v3 =	vor.u32 v3, v4  }
0x2ef: {  	v4 =	vperm.xlane v3, v0;
	_ =	sdelay $0x1  }
0x2f0: {  	v3 =	vperm.xlane v3, v2;
	v4 =	vadd.s32 v1, v4;
	_ =	sdelay $0x1  }
0x2f1: {  	v3 =	vadd.s32 v1, v3;
	_ =	sdelay $0x1  }
0x2f2: {  	s29 =	simm.s32 $0xF400  }
0x2f3: {  	[tilespmem:s29], [sflag:$0x2] =	stream.indirect_vreg.gather [hbm4b:s1+s3], $0x80, v4, vm0, $0xb8;
	[tilespmem:$0x10400] =	vst v63  }
0x2f4: {  	s31 =	simm.s32 $0xFC00  }
0x2f5: {  	[tilespmem:s31], [sflag:$0x2] =	stream.indirect_vreg.gather [hbm4b:s1+s3], $0x80, v3, vm0, $0xb8;
	[tilespmem:$0x10400] =	vst v63  }
0x2f6: {  	s30 =	rddreg [dreg:$0xa]  }
0x2f7: {  	[hbm4b:s30+s3] =	stream.linear.scatter [tilespmem:s28], [sflag:$0x3], $0x8000, $0x38;
	[tilespmem:$0x10400] =	vst v63  }
0x2f8: {  	_ =	swait.ge [sflag:s6], $0x8000  }
0x2f9: {  	[sflag:s6] =	ssyncset.done $0x0  }
0x2fa: {  	[sflag:s6] =	ssyncadd.s32 $0xFFFF8000  }
0x2fb: {  	_ =	swait.ge [sflag:s14], $0x8000  }
0x2fc: {  	p0 =	sne.s32 s5, $0x1;
	[sflag:s14] =	ssyncset.done $0x0  }
.Ltmp0:
0x2fd: {  	s31 =	rddreg [dreg:$0xb];
	[sflag:s14] =	ssyncadd.s32 $0xFFFF8000;
	(pc) =	sbr.rel @p0 .LBB2_1-.Ltmp0, $4  }
0x2fe: {  	[hbm4b:s31+s3] =	stream.linear.scatter [tilespmem:s24], [sflag:$0x3], $0x8000, $0x38;
	[tilespmem:$0x10400] =	vst v63  }
0x2ff: {  	_ =	swait.ge [sflag:s6], $0x8000  }
0x300: {  	[sflag:s6] =	ssyncset.done $0x0  }
0x301: {  	s5 =	sadd.s32 $0xFFFFFFFF, s5;
	[sflag:s6] =	ssyncadd.s32 $0xFFFF8000  }
0x302: {  	_ =	sfence.sel $0x180000  }
0x303: {  	[bflag:$0x0] =	sbarrier.arrive $0xFFFF  }
0x304: {  	_ =	strace $0x90000047  }
0x305: {  	s0 =	stileid.u32;
	[bflag:$0x2] =	sbarrier.arrive $0xFFFF  }
0x306: {  	p0 =	sne.s32 s0, $0x0;
	s0 =	rddreg [dreg:$0x3]  }
0x307: {  	s0 =	sadd.s32 @!p0 $0x100000, s0  }
0x308: {  	[sflag:s0] =	ssyncadd.tile.s32 @!p0 $0x1;
	_ =	shalt  }
.Lfunc_end2:
_tile_overlayer_lowered:
.L_overlay_start_2:
0x309: {  	(tag) =	ssettag $0x2  }
0x30a: {  	s0 =	rddreg [dreg:$0x0];
	s2 =	stileid.u32  }
0x30b: {  	s1 =	rddreg [dreg:$0x1];
	p0 =	sne.s32 s2, $0x0  }
0x30c: {  	s3 =	rddreg [dreg:$0x2];
	[bflag:$0x3] =	sbarrier.arrive $0xFFFF;
	s2 =	simm.s32 @!p0 $0x1C03  }
0x30d: {  	[timem:s3], [sflag:s2] =	dma.local @!p0 [hbm:s0], s1  }
0x30e: {  	s0 =	simm.s32 @!p0 $0x3  }
0x30f: {  	_ =	swait.ge @!p0 [sflag:s0], s1  }
0x310: {  	s1 =	ssub.s32 @!p0 $0x0, s1;
	[sflag:s0] =	ssyncset.done @!p0 $0x0  }
0x311: {  	[sflag:s0] =	ssyncadd.s32 @!p0 s1  }
0x312: {  	[bflag:$0x3] =	sbarrier.arrive $0xFFFF  }
0x313: {  	_ =	shalt  }

// kernel: sparse-core-data-format-call.cloned.1.call-start
scs
called_computation_lowered:
.L_overlay_start_0:
0x0: {  	s2 =	sld [smem:$0x3FD9]  }
0x1: {  	s3 =	sld [smem:$0x3FFE];
	_ =	sdelay $0x1  }
0x2: {  	s1 =	srdreg.scid  }
0x3: {  	s0 =	sand.u32 $0x1, s1  }
0x4: {  	s15 =	sshll.u32 s0, $0xA;
	s2 =	sadd.s32 s3, s2  }
0x5: {  	s2 =	sadd.s32 s2, s15  }
0x6: {  	[smem:$0x3FC6] =	sst s2  }
0x7: {  	_ = 	snop  }
0x8: {  	s2 =	sld [smem:$0x3FD0];
	_ =	sdelay $0x2  }
0x9: {  	s16 =	simm.s32 $0xA;
	s4 =	simm.s32 $0x10  }
0xa: {  	[smem:s4], [sflag:s16] =	dma.local [hbm:s2], $0x1  }
0xb: {  	_ =	swait.eq [sflag:s16], $0x1  }
0xc: {  	[sflag:s16] =	ssyncset.done $0x0  }
0xd: {  	[sflag:s16] =	ssyncadd.s32 $0xFFFFFFFF  }
0xe: {  	s17 =	sld [smem:$0x10];
	(tm) =	ssettm $0x1  }
0xf: {  	s18 =	sld [smem:$0x3FFB];
	_ =	sdelay $0x3  }
0x10: {  	_ =	strace s18  }
0x11: {  	s3 =	sld [smem:$0x3FFC];
	_ =	sdelay $0x3  }
0x12: {  	_ =	strace s3  }
0x13: {  	s3 =	sld [smem:$0x3FFD];
	_ =	sdelay $0x3  }
0x14: {  	_ =	strace s3  }
0x15: {  	_ =	strace $0x8FFFFFFF  }
0x16: {  	s19 =	sld [smem:$0x3FDB];
	_ =	sdelay $0x1  }
0x17: {  	s20 =	simm.s32 $_scs_section_size  }
0x18: {  	s5 =	simm.s32 $_size__tile_overlayer_lowered;
	s6 =	simm.s32 $_tile_overlayer_lowered  }
0x19: {  	s23 =	simm.s32 $0x1BFF;
	s22 =	sshll.u32 s6, $0x1;
	s3 =	sadd.s32 s20, s19  }
0x1a: {  	s7 =	simm.s32 $0x0;
	s21 =	sshll.u32 s5, $0x1;
	s5 =	sadd.s32 s22, s3  }
0x1b: {  	[timem:s7], [sflag:s23] =	dma.local [hbm:s5], s21  }
0x1c: {  	_ =	swait.ge [sflag:s23], s21  }
0x1d: {  	s4 =	ssub.s32 $0x0, s21;
	[sflag:s23] =	ssyncset.done $0x0  }
0x1e: {  	[sflag:s23] =	ssyncadd.s32 s4;
	_ =	sdelay $0x1  }
0x1f: {  	s24 =	simm.s32 $0x1B8B  }
0x20: {  	_ =	swait.ge [sflag:s24], $0x1  }
0x21: {  	[sflag:s24] =	ssyncset.done $0x0  }
0x22: {  	s26 =	simm.s32 $0x1B8E;
	s25 =	sld [smem:$0x3FFE];
	[sflag:s24] =	ssyncadd.s32 $0xFFFFFFFF  }
0x23: {  	s27 =	simm.s32 $execute0_lowered;
	[smem:$0x3FD2] =	sst s26  }
0x24: {  	s5 =	sshll.u32 s27, $0x1;
	_ =	strace $0x80000049;
	[dreg:$0x1] =	wrdreg $0xFFFFFFFF  }
0x25: {  	s28 =	simm.s32 $_size_execute0_lowered;
	s3 =	sadd.s32 s3, s5;
	[dreg:$0x0] =	wrdreg $0x0  }
0x26: {  	s5 =	sshll.u32 s28, $0x1;
	[dreg:$0x2] =	wrdreg s3  }
0x27: {  	[dreg:$0x3] =	wrdreg s5  }
0x28: {  	[dreg:$0x4] =	wrdreg $0xC0  }
0x29: {  	_ =	task [dreg:s7], $0x5FFFF  }
0x2a: {  	[dreg:$0x1] =	wrdreg $0xFFFFFFFF  }
0x2b: {  	[dreg:$0x0] =	wrdreg $0x60  }
0x2c: {  	[dreg:$0x2] =	wrdreg s25  }
0x2d: {  	[dreg:$0x3] =	wrdreg s17  }
0x2e: {  	[dreg:$0x4] =	wrdreg $0x9  }
0x2f: {  	_ =	task.clear_ibuf [dreg:s7], $0x5FFFF;
	_ =	strace $0x90000049  }
0x30: {  	s29 =	simm.s32 $0x9;
	_ =	strace $0x8000004B  }
0x31: {  	_ =	swait.ge [sflag:s29], $0x1  }
0x32: {  	[sflag:s29] =	ssyncadd.s32 $0xFFFFFFFF  }
0x33: {  	_ =	strace $0x9000004B  }
0x34: {  	_ =	sfence  }
0x35: {  	s30 =	sld [smem:$0x0];
	_ =	sdelay $0x2  }
0x36: {  	s31 =	sshll.u32 s1, $0xD;
	s1 =	sshrl.u32 s1, $0x2  }
0x37: {  	s3 =	sand.u32 $0x4000, s31;
	s1 =	sadd.s32 s1, s30  }
0x38: {  	s0 =	sor.u32 s3, s0;
	s1 =	sshll.u32 s1, $0x11  }
0x39: {  	s0 =	sor.u32 s1, s0  }
0x3a: {  	s0 =	sadd.s32 $0x8F2B, s0  }
0x3b: {  	[sflag:s0] =	ssyncadd.remote.s32 $0x1  }
0x3c: {  	_ =	sfence.sel $0xFFFF  }
0x3d: {  	[dreg:$0x0] =	wrdreg $0xFFFFFFFF;
	(pc) =	sbr.abs _section_cstart, $3  }
0x3e: {  	[dreg:$0x1] =	wrdreg $0xFFFFFFFF  }
0x3f: {  	_ =	task.clear_ibuf [dreg:s7], $0x2FFFF;
	_ =	strace $0x9FFFFFFF  }
0x40: {  	(tm) =	ssettm $0x7FFFFFFF  }
0x41: {  	_ =	shalt  }
tec
execute0_lowered:
.L_overlay_start_1:
0x0: {  	(tag) =	ssettag $0x1  }
0x1: {  	s0 =	srdreg.scid;
	s1 =	rddreg [dreg:$0x0]  }
0x2: {  	s2 =	rddreg [dreg:$0x1];
	s5 =	simm.s32 $0x1;
	s7 =	simm.s32 $0x2  }
0x3: {  	s15 =	simm.s32 $0x0;
	p0 =	por $0x0, $0x0;
	s13 =	simm.s32 $0x0  }
0x4: {  	s14 =	simm.s32 $0x0;
	s9 =	simm.s32 $0x0;
	s0 =	sshll.u32 s0, $0x7  }
0x5: {  	s11 =	stileid.u32;
	s3 =	sand.u32 $0x80, s0;
	s0 =	rddreg [dreg:$0x2]  }
.Ltmp0:
0x6: {  	_ =	strace $0x8000004A;
	s4 =	ssub.s32 $0x800, s3;
	(pc) =	sbr.rel .LBB1_1-.Ltmp0, $4  }
0x7: {  	s12 =	simm.s32 $0x0;
	[sflag:s5] =	ssyncpa.u1 $0x0;
	s6 =	sshrl.u32 s4, $0x7  }
0x8: {  	s10 =	smov.u32 s3;
	s4 =	sshrl.u32 s4, $0x8;
	s6 =	sand.u32 $0x1, s6  }
0x9: {  	[sflag:s7] =	ssyncpa.u1 $0x0;
	s8 =	sadd.s32 s4, s6;
	s4 =	stileid.u32  }
0xa: {  	s6 =	sshll.u32 s8, $0x1;
	s7 =	sshllo.u32 s8, $0x1;
	s8 =	simm.s32 $0x4000  }
.LBB1_4:
0xb: {  	v5 =	vld [tilespmem:s18+$0xFFFFFFD0];
	[tilespmem:s19+$0x2040 ss:$0x81] =	vst.msk $0xffff, v1  }
0xc: {  	v58 =	vld [tilespmem:s18+$0xFFFFFFE0];
	[tilespmem:s19+$0x2850 ss:$0x81] =	vst.msk $0xffff, v2  }
0xd: {  	s20 =	sshra.s32 s20, $0x2;
	v59 =	vld [tilespmem:s18+$0xFFFFFFF0];
	[tilespmem:s19+$0x3060 ss:$0x81] =	vst.msk $0xffff, v3  }
0xe: {  	v60 =	vld [tilespmem:s18+$0x0];
	[tilespmem:s19+$0x0 ss:$0x81] =	vst.msk $0xffff, v0;
	s17 =	sadd.s32 s20, s17  }
0xf: {  	v61 =	vld [tilespmem:s18+$0x10];
	s26 =	sshll.u32 s15, $0xB;
	[tilespmem:s17+$0x3870 ss:$0x81] =	vst.msk $0xffff, v4  }
0x10: {  	v62 =	vld [tilespmem:s18+$0x20];
	s27 =	sand.u32 $0x78, s13;
	s21 =	sshll.u32 s13, $0x3;
	s29 =	sshll.u32 s15, $0x7;
	[tilespmem:s17+$0x810 ss:$0x81] =	vst.msk $0xffff, v5  }
0x11: {  	v63 =	vld [tilespmem:s18+$0xFFFFFFC0];
	s14 =	sshll.u32 s14, $0x10;
	s19 =	sand.u32 $0x7C000, s26;
	s28 =	sand.u32 $0x7FC00, s21;
	[tilespmem:s17+$0x1020 ss:$0x81] =	vst.msk $0xffff, v58  }
0x12: {  	s31 =	sand.u32 $0x7, s13;
	s21 =	sand.u32 $0x400, s21;
	s18 =	sadd.s32 s28, s19;
	[tilespmem:s17+$0x1830 ss:$0x81] =	vst.msk $0xffff, v59  }
0x13: {  	s15 =	sand.u32 $0x380, s29;
	s30 =	sor.u32 s27, s21;
	s18 =	sshrl.u32 s18, $0x3;
	[tilespmem:s17+$0x2040 ss:$0x81] =	vst.msk $0xffff, v60  }
0x14: {  	s14 =	sadd.s32 s2, s14;
	s15 =	sor.u32 s15, s30;
	s18 =	sand.u32 $0xFF00, s18;
	[tilespmem:s17+$0x2850 ss:$0x81] =	vst.msk $0xffff, v61  }
0x15: {  	s13 =	sshll.u32 s31, $0x12;
	s15 =	sshrl.u32 s15, $0x3;
	[tilespmem:s17+$0x3060 ss:$0x81] =	vst.msk $0xffff, v62;
	s14 =	sadd.s32 s18, s14  }
0x16: {  	s13 =	sor.u32 $0x400, s13;
	[tilespmem:s17+$0x0 ss:$0x81] =	vst.msk $0xffff, v63;
	s14 =	sadd.s32 s15, s14  }
0x17: {  	[hbm4b:s14+s13] =	stream.strided.scatter [tilespmem:s16], [sflag:$0x2], $0x4000, s8, s13, $0x20;
	[tilespmem:$0x10100] =	vst v63  }
.LBB1_5:
0x18: {  	s16 =	sadd.s32 $0x80, s9  }
0x19: {  	s13 =	sadd.s32 $0x100, s10;
	s17 =	smov.u32 s10;
	p2 =	sgt.s32 s16, $0xFF  }
0x1a: {  	s17 =	smov.u32 @p2 s13  }
0x1b: {  	s19 =	smov.u32 s11;
	s13 =	sadd.s32 $0x10, s11;
	p3 =	sgt.s32 s17, $0x7FF  }
0x1c: {  	s19 =	smov.u32 @p3 s13  }
0x1d: {  	s16 =	simm.s32 @p2 $0x0;
	p2 =	sgt.s32 s19, $0xF  }
0x1e: {  	p1 =	slt.u32 s12, $0x2;
	s19 =	smov.u32 @p2 s4;
	p2 =	sne.s32 s12, s7  }
.Ltmp1:
0x1f: {  	s18 =	simm.s32 @!p1 $0x2;
	(pc) =	sbr.rel @!p2 .LBB1_6-.Ltmp1, $4  }
0x20: {  	s15 =	smov.u32 s9;
	s14 =	smov.u32 s11;
	_ =	swait.ge @!p1 [sflag:s18], $0x4000  }
0x21: {  	p0 =	por !p0, !p0;
	[sflag:s18] =	ssyncset.done @!p1 $0x0;
	s9 =	smov.u32 s16  }
0x22: {  	s17 =	smov.u32 @p3 s3;
	s13 =	smov.u32 s10;
	[sflag:s18] =	ssyncadd.s32 @!p1 $0xFFFFC000  }
0x23: {  	s10 =	smov.u32 s17;
	s12 =	sadd.s32 $0x1, s12;
	s11 =	smov.u32 s19  }
.LBB1_1:
0x24: {  	p1 =	sge.u32 s12, s6  }
0x25: {  	s31 =	sadd.s32 $0xFFFFFFFF, s12;
	s16 =	sxor.u32 @!p1 $0xFFFFFFFF, s12  }
0x26: {  	s17 =	sshll.u32 @!p1 s10, $0x8;
	s18 =	sshll.u32 @!p1 s9, $0x3;
	s19 =	sshll.u32 @!p1 s10, $0x7  }
0x27: {  	s20 =	sand.u32 @!p1 $0x78, s9;
	s17 =	sand.u32 @!p1 $0x7F800, s17;
	s18 =	sand.u32 @!p1 $0x7FC00, s18  }
0x28: {  	s16 =	sshll.u32 @!p1 s16, $0xE;
	s17 =	sadd.s32 @!p1 s17, s18;
	s18 =	sand.u32 @!p1 $0x300, s19  }
0x29: {  	s16 =	sand.u32 @!p1 $0x4000, s16;
	s17 =	sor.u32 @!p1 s18, s17;
	s18 =	sand.u32 @!p1 $0x80, s19  }
0x2a: {  	s19 =	sshll.u32 @!p1 s11, $0x10;
	s18 =	sor.u32 @!p1 s20, s18;
	s17 =	sshrl.u32 @!p1 s17, $0x3  }
0x2b: {  	s19 =	sadd.s32 @!p1 s1, s19;
	s20 =	sand.u32 @!p1 $0x7, s9;
	s18 =	sshrl.u32 @!p1 s18, $0x3  }
0x2c: {  	s17 =	sand.u32 @!p1 $0xFFE0, s17;
	s18 =	sadd.s32 @!p1 s18, s19;
	s19 =	sshll.u32 @!p1 s20, $0x12  }
0x2d: {  	s17 =	sadd.s32 @!p1 s17, s18;
	s18 =	sor.u32 @!p1 $0x400, s19;
	s19 =	simm.s32 @!p1 $0x800  }
0x2e: {  	[tilespmem:s16], [sflag:$0x1] =	stream.strided.gather @!p1 [hbm4b:s17+s18], $0x4000, s19, s18, $0x38;
	[tilespmem:$0x10100] =	vst v63  }
0x2f: {  	p1 =	sge.u32 s31, s6  }
.Ltmp2:
0x30: {  	_ = 	snop;
	(pc) =	sbr.rel @p1 .LBB1_5-.Ltmp2, $1  }
0x31: {  	_ =	sdelay $0x3  }
0x32: {  	s16 =	simm.s32 $0x1  }
0x33: {  	_ =	swait.ge [sflag:s5], $0x4000;
	s16 =	simm.s32 @!p0 $0x0  }
0x34: {  	[sflag:s5] =	ssyncset.done $0x0;
	s17 =	sshll.u32 s16, $0xE  }
0x35: {  	[sflag:s5] =	ssyncadd.s32 $0xFFFFC000;
	s18 =	sor.u32 $0x40, s17  }
0x36: {  	s16 =	smul.u32 $0x10200, s16;
	v0 =	vld [tilespmem:s18+$0x30]  }
0x37: {  	v3 =	vld [tilespmem:s18+$0xFFFFFFD0]  }
0x38: {  	s16 =	sshrl.u32 s16, $0x2;
	v4 =	vld [tilespmem:s18+$0xFFFFFFE0]  }
0x39: {  	v5 =	vld [tilespmem:s18+$0xFFFFFFF0];
	s17 =	sor.u32 $0x8000, s16  }
0x3a: {  	s31 =	sand.u32 $0x1, s12;
	v1 =	vld [tilespmem:s18+$0x0];
	s19 =	sadd.s32 $0x0, s17  }
0x3b: {  	v2 =	vld [tilespmem:s18+$0x10];
	s16 =	smul.u32 $0x10200, s31;
	[tilespmem:s19+$0x3870 ss:$0x81] =	vst.msk $0xffff, v0  }
0x3c: {  	[tilespmem:s19+$0x810 ss:$0x81] =	vst.msk $0xffff, v3;
	v3 =	vld [tilespmem:s18+$0x20]  }
0x3d: {  	s16 =	sshrl.u32 s16, $0x2;
	v0 =	vld [tilespmem:s18+$0xFFFFFFC0];
	[tilespmem:s19+$0x1020 ss:$0x81] =	vst.msk $0xffff, v4;
	s18 =	sadd.s32 $0x80, s18  }
0x3e: {  	s20 =	simm.s32 $0x4;
	s21 =	simm.s32 $0x8;
	s16 =	sor.u32 $0x8000, s16;
	[tilespmem:s19+$0x1830 ss:$0x81] =	vst.msk $0xffff, v5;
	v4 =	vld [tilespmem:s18+$0x30]  }
.LBB1_3:
0x3f: {  	p1 =	sne.s32 s21, $0x1FC;
	v5 =	vld [tilespmem:s18+$0xFFFFFFD0];
	[tilespmem:s19+$0x2040 ss:$0x81] =	vst.msk $0xffff, v1  }
0x40: {  	v6 =	vld [tilespmem:s18+$0xFFFFFFE0];
	[tilespmem:s19+$0x2850 ss:$0x81] =	vst.msk $0xffff, v2  }
0x41: {  	s22 =	sshra.s32 s20, $0x2;
	s20 =	smov.u32 s21;
	v7 =	vld [tilespmem:s18+$0xFFFFFFF0];
	[tilespmem:s19+$0x3060 ss:$0x81] =	vst.msk $0xffff, v3  }
.Ltmp3:
0x42: {  	v1 =	vld [tilespmem:s18+$0x0];
	[tilespmem:s19+$0x0 ss:$0x81] =	vst.msk $0xffff, v0;
	s19 =	sadd.s32 s22, s17;
	(pc) =	sbr.rel @p1 .LBB1_3-.Ltmp3, $4  }
0x43: {  	v2 =	vld [tilespmem:s18+$0x10];
	[tilespmem:s19+$0x3870 ss:$0x81] =	vst.msk $0xffff, v4  }
0x44: {  	[tilespmem:s19+$0x810 ss:$0x81] =	vst.msk $0xffff, v5;
	v3 =	vld [tilespmem:s18+$0x20]  }
0x45: {  	v0 =	vld [tilespmem:s18+$0xFFFFFFC0];
	[tilespmem:s19+$0x1020 ss:$0x81] =	vst.msk $0xffff, v6;
	s18 =	sadd.s32 $0x80, s18  }
0x46: {  	s21 =	sadd.s32 $0x4, s21;
	v4 =	vld [tilespmem:s18+$0x30];
	[tilespmem:s19+$0x1830 ss:$0x81] =	vst.msk $0xffff, v7  }
.Ltmp4:
0x47: {  	_ = 	snop;
	(pc) =	sbr.rel .LBB1_4-.Ltmp4, $1  }
0x48: {  	_ =	sdelay $0x3  }
.LBB1_6:
0x49: {  	_ =	sfence.sel $0x180000  }
0x4a: {  	s1 =	simm.s32 $0x1;
	[bflag:$0x0] =	sbarrier.arrive $0xFFFF  }
0x4b: {  	s31 =	simm.s32 $0x2;
	[sflag:s1] =	ssyncpa.u1 $0x1  }
0x4c: {  	[sflag:s31] =	ssyncpa.u1 $0x1  }
0x4d: {  	p0 =	sne.s32 s4, $0x0;
	_ =	strace $0x9000004A  }
0x4e: {  	s0 =	sadd.s32 @!p0 $0x100000, s0;
	[bflag:$0x2] =	sbarrier.arrive $0xFFFF  }
0x4f: {  	[sflag:s0] =	ssyncadd.tile.s32 @!p0 $0x1;
	_ =	shalt  }
.Lfunc_end1:
_tile_overlayer_lowered:
.L_overlay_start_2:
0x50: {  	(tag) =	ssettag $0x2  }
0x51: {  	s0 =	rddreg [dreg:$0x0];
	s2 =	stileid.u32  }
0x52: {  	s1 =	rddreg [dreg:$0x1];
	p0 =	sne.s32 s2, $0x0  }
0x53: {  	s3 =	rddreg [dreg:$0x2];
	[bflag:$0x3] =	sbarrier.arrive $0xFFFF;
	s2 =	simm.s32 @!p0 $0x1C01  }
0x54: {  	[timem:s3], [sflag:s2] =	dma.local @!p0 [hbm:s0], s1  }
0x55: {  	s0 =	simm.s32 @!p0 $0x1  }
0x56: {  	_ =	swait.ge @!p0 [sflag:s0], s1  }
0x57: {  	s1 =	ssub.s32 @!p0 $0x0, s1;
	[sflag:s0] =	ssyncset.done @!p0 $0x0  }
0x58: {  	[sflag:s0] =	ssyncadd.s32 @!p0 s1  }
0x59: {  	[bflag:$0x3] =	sbarrier.arrive $0xFFFF  }
0x5a: {  	_ =	shalt  }

</sc_bundles>
